<compile_context>
chip_gen: v7x
topology: tpu7x:2x2x1
jax: 0.10.2.dev20260603
libtpu: 0.0.44.dev20260713+nightly
codegen_flags: <defaults>
</compile_context>

<pallas_src>
import functools

import jax
import jax.numpy as jnp
from jax import lax
from jax.experimental import pallas as pl
from jax.experimental.pallas import tpu as pltpu
from jax.experimental.pallas import tpu_sc as plsc

_N = 10000
_E = 320000
_NC = 2
_NS = 16
_NW = _NC * _NS
_C = 80
_EPT = _E // _NW
_NCHUNK = _EPT // _C
_NP = 10240
_NPT = _NP // _NS

_mesh = plsc.VectorSubcoreMesh(core_axis_name="c", subcore_axis_name="s")
_CP = pltpu.CompilerParams(needs_layout_passes=False)

_f32 = jnp.float32


def _iota16():
    return lax.iota(jnp.int32, 16)


def _leaky_exp(x):
    return jnp.exp(jnp.maximum(x, 0.2 * x))


@functools.partial(
    pl.kernel,
    out_type=jax.ShapeDtypeStruct((_NC, _NP, 72), _f32),
    mesh=_mesh,
    compiler_params=_CP,
    scratch_types=[
        pltpu.VMEM((_C,), jnp.int32),
        pltpu.VMEM((_C,), jnp.int32),
        pltpu.VMEM((_C, 128), _f32),
        pltpu.VMEM((_C, 128), _f32),
        pltpu.VMEM((_C, 72), _f32),
        pltpu.VMEM_SHARED((_NP, 72), _f32),
        pltpu.SemaphoreType.DMA,
        pltpu.SemaphoreType.DMA,
    ],
)
def _layer0(src_hbm, dst_hbm, t0_hbm, zeros_hbm, out_hbm,
            srcv, dstv, srow, drow, msgb, acc, sem0, sem1):
    c = lax.axis_index("c")
    s = lax.axis_index("s")
    wid = c * _NS + s
    i16 = _iota16()
    row01 = i16 // 8
    col07 = jnp.bitwise_and(i16, 7)
    sl = pl.ds(s * _NPT, _NPT)

    pltpu.sync_copy(zeros_hbm.at[sl], acc.at[sl])
    plsc.subcore_barrier()

    def chunk(ci, carry):
        base = wid * _EPT + ci * _C
        pltpu.sync_copy(src_hbm.at[pl.ds(base, _C)], srcv)
        pltpu.sync_copy(dst_hbm.at[pl.ds(base, _C)], dstv)
        cps = pltpu.async_copy(t0_hbm.at[srcv], srow, sem0)
        cpd = pltpu.async_copy(t0_hbm.at[dstv], drow, sem1)
        cps.wait()
        cpd.wait()

        def pair(j, carry2):
            row = row01 + 2 * j
            el2 = plsc.load_gather(srow, [row, col07 + 64])
            er2 = plsc.load_gather(drow, [row, col07 + 72])
            ee = _leaky_exp(el2 + er2)
            plsc.store_scatter(msgb, [row, col07 + 64], ee)
            return carry2

        lax.fori_loop(0, _C // 2, pair, 0)

        def edge(e, carry2):
            rowe = jnp.full((16,), e, jnp.int32)
            for m in range(4):
                colm = 16 * m + i16
                aexp = plsc.load_gather(msgb, [rowe, 64 + 2 * m + row01])
                fr = plsc.load_gather(srow, [rowe, colm])
                plsc.store_scatter(msgb, [rowe, colm], fr * aexp)
            return carry2

        lax.fori_loop(0, _C, edge, 0)
        pltpu.sync_copy(msgb, acc.at[dstv], add=True)
        return carry

    lax.fori_loop(0, _NCHUNK, chunk, 0)
    plsc.subcore_barrier()
    pltpu.sync_copy(acc.at[sl], out_hbm.at[c, sl])


@functools.partial(
    pl.kernel,
    out_type=jax.ShapeDtypeStruct((_NC, _NP, 48), _f32),
    mesh=_mesh,
    compiler_params=_CP,
    scratch_types=[
        pltpu.VMEM((_C,), jnp.int32),
        pltpu.VMEM((_C,), jnp.int32),
        pltpu.VMEM((_C, 128), _f32),
        pltpu.VMEM((_C, 128), _f32),
        pltpu.VMEM((_C, 48), _f32),
        pltpu.VMEM_SHARED((_NP, 48), _f32),
        pltpu.SemaphoreType.DMA,
        pltpu.SemaphoreType.DMA,
    ],
)
def _layer1(src_hbm, dst_hbm, t1_hbm, zeros_hbm, out_hbm,
            srcv, dstv, srow, drow, msgb, acc, sem0, sem1):
    c = lax.axis_index("c")
    s = lax.axis_index("s")
    wid = c * _NS + s
    i16 = _iota16()
    zero16 = jnp.zeros((16,), jnp.int32)
    f40 = zero16 + 40
    f41 = zero16 + 41
    msk8 = i16 < 8
    sl = pl.ds(s * _NPT, _NPT)

    pltpu.sync_copy(zeros_hbm.at[sl], acc.at[sl])
    pltpu.sync_copy(zeros_hbm.at[pl.ds(0, _C)], msgb)
    plsc.subcore_barrier()

    def chunk(ci, carry):
        base = wid * _EPT + ci * _C
        pltpu.sync_copy(src_hbm.at[pl.ds(base, _C)], srcv)
        pltpu.sync_copy(dst_hbm.at[pl.ds(base, _C)], dstv)
        cps = pltpu.async_copy(t1_hbm.at[srcv], srow, sem0)
        cpd = pltpu.async_copy(t1_hbm.at[dstv], drow, sem1)
        cps.wait()
        cpd.wait()

        def grp(j, carry2):
            rows = 16 * j + i16
            el = plsc.load_gather(srow, [rows, f40])
            er = plsc.load_gather(drow, [rows, f41])
            ee = _leaky_exp(el + er)
            plsc.store_scatter(msgb, [rows, f40], ee)
            return carry2

        lax.fori_loop(0, _C // 16, grp, 0)

        def edge(e, carry2):
            rowe = jnp.full((16,), e, jnp.int32)
            aexp = plsc.load_gather(msgb, [rowe, f40])
            for m in range(3):
                colm = 16 * m + i16
                if m < 2:
                    fr = plsc.load_gather(srow, [rowe, colm])
                    plsc.store_scatter(msgb, [rowe, colm], fr * aexp)
                else:
                    fr = plsc.load_gather(srow, [rowe, colm], mask=msk8)
                    plsc.store_scatter(msgb, [rowe, colm], fr * aexp,
                                       mask=msk8)
            return carry2

        lax.fori_loop(0, _C, edge, 0)
        pltpu.sync_copy(msgb, acc.at[dstv], add=True)
        return carry

    lax.fori_loop(0, _NCHUNK, chunk, 0)
    plsc.subcore_barrier()
    pltpu.sync_copy(acc.at[sl], out_hbm.at[c, sl])


_BLK = 2000
_GRID = _N // _BLK


def _tc0_body(h_ref, w0_ref, al_ref, ar_ref, t0_ref):
    feat = jnp.dot(h_ref[...], w0_ref[...], preferred_element_type=_f32)
    el = jnp.dot(feat, al_ref[...], preferred_element_type=_f32)
    er = jnp.dot(feat, ar_ref[...], preferred_element_type=_f32)
    pad = jnp.zeros((_BLK, 48), _f32)
    t0_ref[...] = jnp.concatenate([feat, el, er, pad], axis=1)


_tc0 = pl.pallas_call(
    _tc0_body,
    grid=(_GRID,),
    in_specs=[
        pl.BlockSpec((_BLK, 128), lambda i: (i, 0)),
        pl.BlockSpec((128, 64), lambda i: (0, 0)),
        pl.BlockSpec((64, 8), lambda i: (0, 0)),
        pl.BlockSpec((64, 8), lambda i: (0, 0)),
    ],
    out_specs=pl.BlockSpec((_BLK, 128), lambda i: (i, 0)),
    out_shape=jax.ShapeDtypeStruct((_NP, 128), _f32),
)


def _tc2_body(op_ref, b0_ref, w1_ref, alr_ref, e864_ref, t1_ref):
    x = op_ref[0] + op_ref[1]
    dinv = 1.0 / (x[:, 64:72] + 1e-9)
    dinv64 = jnp.dot(dinv, e864_ref[...], preferred_element_type=_f32)
    z = x[:, :64] * dinv64 + b0_ref[...]
    h1 = jnp.where(z > 0, z, jnp.exp(jnp.minimum(z, 0.0)) - 1.0)
    feat = jnp.dot(h1, w1_ref[...], preferred_element_type=_f32)
    lr = jnp.dot(feat, alr_ref[...], preferred_element_type=_f32)
    pad = jnp.zeros((_BLK, 80), _f32)
    t1_ref[...] = jnp.concatenate([feat, lr, pad], axis=1)


_tc2 = pl.pallas_call(
    _tc2_body,
    grid=(_GRID,),
    in_specs=[
        pl.BlockSpec((2, _BLK, 72), lambda i: (0, i, 0)),
        pl.BlockSpec((1, 64), lambda i: (0, 0)),
        pl.BlockSpec((64, 40), lambda i: (0, 0)),
        pl.BlockSpec((40, 8), lambda i: (0, 0)),
        pl.BlockSpec((8, 64), lambda i: (0, 0)),
    ],
    out_specs=pl.BlockSpec((_BLK, 128), lambda i: (i, 0)),
    out_shape=jax.ShapeDtypeStruct((_NP, 128), _f32),
)


def _tc4_body(op_ref, b1_ref, out_ref):
    x = op_ref[0] + op_ref[1]
    out_ref[...] = x[:, :40] / (x[:, 40:41] + 1e-9) + b1_ref[...]


_tc4 = pl.pallas_call(
    _tc4_body,
    grid=(_GRID,),
    in_specs=[
        pl.BlockSpec((2, _BLK, 48), lambda i: (0, i, 0)),
        pl.BlockSpec((1, 40), lambda i: (0, 0)),
    ],
    out_specs=pl.BlockSpec((_BLK, 40), lambda i: (i, 0)),
    out_shape=jax.ShapeDtypeStruct((_N, 40), _f32),
)


def kernel(h, edge_index, W0, attn_l0, attn_r0, b0, W1, attn_l1, attn_r1, b1):
    src = edge_index[0].astype(jnp.int32)
    dst = edge_index[1].astype(jnp.int32)

    eye8 = jnp.eye(8, dtype=_f32)
    al0 = (attn_l0[:, :, None] * eye8[:, None, :]).reshape(64, 8)
    ar0 = (attn_r0[:, :, None] * eye8[:, None, :]).reshape(64, 8)
    alr1 = jnp.zeros((40, 8), _f32)
    alr1 = alr1.at[:, 0].set(attn_l1[0]).at[:, 1].set(attn_r1[0])
    e864 = (eye8[:, :, None] * jnp.ones((1, 1, 8), _f32)).reshape(8, 64)

    z72 = jnp.zeros((_NP, 72), _f32)
    z48 = jnp.zeros((_NP, 48), _f32)

    t0 = _tc0(h, W0, al0, ar0)
    op0 = _layer0(src, dst, t0, z72)
    t1 = _tc2(op0, b0.reshape(1, 64), W1, alr1, e864)
    op1 = _layer1(src, dst, t1, z48)
    return _tc4(op1, b1.reshape(1, 40))

# --- scband reference (transcript-rebuilt; emitter-appended) ---
"""Pipeline reference for scband-gat-dgl-59717225284234 (READ-ONLY COPY).

The authoritative reference and input builder live on the scoring server;
editing this copy changes nothing except your own understanding.
"""

import jax, jax.numpy as jnp
import numpy as np

N_NODES = 10000
N_EDGES = 320000
IN_DIM = 128
NUM_HIDDEN = 8
HEADS = 8
NUM_CLASSES = 40
NEG_SLOPE = 0.2


def setup_inputs(seed: int = 0) -> dict:
    key = jax.random.key(seed)
    ks = jax.random.split(key, 10)
    h = jax.random.normal(ks[0], (N_NODES, IN_DIM), dtype=jnp.float32)
    edge_index = jax.random.randint(ks[1], (2, N_EDGES), 0, N_NODES, dtype=jnp.int64)
    W0 = jax.random.normal(ks[2], (IN_DIM, HEADS * NUM_HIDDEN), dtype=jnp.float32) * 0.1
    attn_l0 = jax.random.normal(ks[3], (HEADS, NUM_HIDDEN), dtype=jnp.float32) * 0.1
    attn_r0 = jax.random.normal(ks[4], (HEADS, NUM_HIDDEN), dtype=jnp.float32) * 0.1
    b0 = jax.random.normal(ks[5], (HEADS * NUM_HIDDEN,), dtype=jnp.float32) * 0.1
    W1 = jax.random.normal(ks[6], (HEADS * NUM_HIDDEN, 1 * NUM_CLASSES), dtype=jnp.float32) * 0.1
    attn_l1 = jax.random.normal(ks[7], (1, NUM_CLASSES), dtype=jnp.float32) * 0.1
    attn_r1 = jax.random.normal(ks[8], (1, NUM_CLASSES), dtype=jnp.float32) * 0.1
    b1 = jax.random.normal(ks[9], (NUM_CLASSES,), dtype=jnp.float32) * 0.1
    return {"h": h, "edge_index": edge_index, "W0": W0, "attn_l0": attn_l0, "attn_r0": attn_r0, "b0": b0, "W1": W1, "attn_l1": attn_l1, "attn_r1": attn_r1, "b1": b1}


def _leaky_relu(x, slope):
    return jnp.where(x >= 0, x, slope * x)


def _gat_conv(h, src, dst, W, attn_l, attn_r, b, num_nodes, activation):
    # DGL GATConv, eval mode (feat_drop=attn_drop=0), no residual
    H, D = attn_l.shape
    feat = (h @ W).reshape(-1, H, D)  # (N, H, D)
    el = (feat * attn_l[None, :, :]).sum(axis=-1)  # (N, H)
    er = (feat * attn_r[None, :, :]).sum(axis=-1)  # (N, H)
    e = _leaky_relu(el[src] + er[dst], NEG_SLOPE)  # (E, H)
    # edge softmax over incoming edges of each dst node
    emax = jax.ops.segment_max(e, dst, num_segments=num_nodes)  # (N, H)
    ee = jnp.exp(e - emax[dst])
    denom = jax.ops.segment_sum(ee, dst, num_segments=num_nodes)  # (N, H)
    a = ee / (denom[dst] + 1e-9)  # (E, H)
    msg = feat[src] * a[:, :, None]  # (E, H, D)
    out = jax.ops.segment_sum(msg, dst, num_segments=num_nodes)  # (N, H, D)
    out = out + b.reshape(1, H, D)
    if activation is not None:
        out = activation(out)
    return out


def reference(h, edge_index, W0, attn_l0, attn_r0, b0, W1, attn_l1, attn_r1, b1):
    src = edge_index[0]
    dst = edge_index[1]
    n = h.shape[0]
    h1 = _gat_conv(h, src, dst, W0, attn_l0, attn_r0, b0, n, jax.nn.elu)
    h1 = h1.reshape(n, -1)  # flatten(1)
    h2 = _gat_conv(h1, src, dst, W1, attn_l1, attn_r1, b1, n, None)
    logits = h2.mean(axis=1)  # mean over heads (=1)
    return logits

if __name__ == "__main__":
    import jax
    _d = setup_inputs()
    print(jax.jit(kernel)(*tuple(_d.values())))

</pallas_src>

<mosaic_0001>
#map = affine_map<(d0, d1) -> (0)>
#map1 = affine_map<(d0, d1) -> (0, 0)>
#map2 = affine_map<(d0, d1) -> (0, 0, 0)>
module attributes {stable_mosaic.version = 14 : i64} {
  func.func @_layer0(%arg0: i32, %arg1: i32, %arg2: memref<320000xi32, #tpu.memory_space<hbm>>, %arg3: memref<320000xi32, #tpu.memory_space<hbm>>, %arg4: memref<10240x128xf32, #tpu.memory_space<hbm>>, %arg5: memref<10240x72xf32, #tpu.memory_space<hbm>>, %arg6: memref<2x10240x72xf32, #tpu.memory_space<hbm>>, %arg7: memref<80xi32, #tpu.memory_space<vmem>>, %arg8: memref<80xi32, #tpu.memory_space<vmem>>, %arg9: memref<80x128xf32, #tpu.memory_space<vmem>>, %arg10: memref<80x128xf32, #tpu.memory_space<vmem>>, %arg11: memref<80x72xf32, #tpu.memory_space<vmem>>, %arg12: memref<10240x72xf32, #tpu.memory_space<vmem_shared>>, %arg13: memref<!tpu.dma_semaphore, #tpu.memory_space<semaphore_mem>>, %arg14: memref<!tpu.dma_semaphore, #tpu.memory_space<semaphore_mem>>) attributes {dimension_semantics = [#tpu.dimension_semantics<core_parallel>, #tpu.dimension_semantics<subcore_parallel>], iteration_bounds = array<i64: 2, 16>, scalar_prefetch = 0 : i64, scratch_operands = 8 : i64, tpu.core_type = #tpu.core_type<sc_vector_subcore>, window_params = [{transform_indices = #map}, {transform_indices = #map}, {transform_indices = #map1}, {transform_indices = #map1}, {transform_indices = #map2}]} {
    %mul3A = arith.constant 16 : i32
    %mul3A_0 = arith.muli %arg0, %mul3A : i32
    %add3A = arith.addi %mul3A_0, %arg1 : i32
    %iota3A = tpu.iota {dimensions = array<i32: 0>} : vector<16xi32>
    %jit3A = arith.constant 8 : i32
    %div3A = vector.broadcast %jit3A : i32 to vector<16xi32>
    %div3A_1 = arith.divsi %iota3A, %div3A : vector<16xi32>
    %sign3A = arith.constant 0 : i32
    %sign3A_2 = vector.broadcast %sign3A : i32 to vector<16xi32>
    %sign3A_3 = arith.cmpi sgt, %iota3A, %sign3A_2 : vector<16xi32>
    %sign3A_4 = arith.extui %sign3A_3 : vector<16xi1> to vector<16xi32>
    %sign3A_5 = arith.constant 0 : i32
    %sign3A_6 = vector.broadcast %sign3A_5 : i32 to vector<16xi32>
    %sign3A_7 = arith.cmpi slt, %iota3A, %sign3A_6 : vector<16xi32>
    %sign3A_8 = arith.extui %sign3A_7 : vector<16xi1> to vector<16xi32>
    %sign3A_9 = arith.subi %sign3A_4, %sign3A_8 : vector<16xi32>
    %sign3A_10 = arith.constant 0 : i32
    %sign3A_11 = arith.cmpi sgt, %jit3A, %sign3A_10 : i32
    %sign3A_12 = arith.extui %sign3A_11 : i1 to i32
    %sign3A_13 = arith.constant 0 : i32
    %sign3A_14 = arith.cmpi slt, %jit3A, %sign3A_13 : i32
    %sign3A_15 = arith.extui %sign3A_14 : i1 to i32
    %sign3A_16 = arith.subi %sign3A_12, %sign3A_15 : i32
    %ne3A = vector.broadcast %sign3A_16 : i32 to vector<16xi32>
    %ne3A_17 = arith.cmpi ne, %sign3A_9, %ne3A : vector<16xi32>
    %rem3A = vector.broadcast %jit3A : i32 to vector<16xi32>
    %rem3A_18 = arith.remsi %iota3A, %rem3A : vector<16xi32>
    %ne3A_19 = arith.constant 0 : i32
    %ne3A_20 = vector.broadcast %ne3A_19 : i32 to vector<16xi32>
    %ne3A_21 = arith.cmpi ne, %rem3A_18, %ne3A_20 : vector<16xi32>
    %and3A = arith.andi %ne3A_17, %ne3A_21 : vector<16xi1>
    %sub3A = arith.constant 1 : i32
    %sub3A_22 = vector.broadcast %sub3A : i32 to vector<16xi32>
    %sub3A_23 = arith.subi %div3A_1, %sub3A_22 : vector<16xi32>
    %select_n3A = arith.select %and3A, %sub3A_23, %div3A_1 : vector<16xi1>, vector<16xi32>
    %and3A_24 = arith.constant 7 : i32
    %and3A_25 = vector.broadcast %and3A_24 : i32 to vector<16xi32>
    %and3A_26 = arith.andi %iota3A, %and3A_25 : vector<16xi32>
    %mul3A_27 = arith.constant 640 : i32
    %mul3A_28 = arith.muli %arg1, %mul3A_27 : i32
    "tpu.region"() ({
      %run_scoped3A = tpu.sem_alloc : memref<!tpu.dma_semaphore, #tpu.memory_space<semaphore_mem>>
      %dma_start3A = arith.constant 0 : i32
      %dma_start3A_35 = tpu.memref_slice %arg12[%mul3A_28, %dma_start3A] : memref<10240x72xf32, #tpu.memory_space<vmem_shared>> -> memref<640x72xf32, #tpu.memory_space<vmem_shared>>
      %dma_start3A_36 = arith.constant 0 : i32
      %dma_start3A_37 = tpu.memref_slice %arg5[%mul3A_28, %dma_start3A_36] : memref<10240x72xf32, #tpu.memory_space<hbm>> -> memref<640x72xf32, #tpu.memory_space<hbm>>
      tpu.enqueue_dma source(%dma_start3A_37 : memref<640x72xf32, #tpu.memory_space<hbm>>) target(%dma_start3A_35 : memref<640x72xf32, #tpu.memory_space<vmem_shared>>) target_semaphore(%run_scoped3A : memref<!tpu.dma_semaphore, #tpu.memory_space<semaphore_mem>>)
      %dma_wait3A = arith.constant 0 : i32
      %dma_wait3A_38 = tpu.memref_slice %arg12[%mul3A_28, %dma_wait3A] : memref<10240x72xf32, #tpu.memory_space<vmem_shared>> -> memref<640x72xf32, #tpu.memory_space<vmem_shared>>
      %dma_wait3A_39 = arith.constant 0 : i32
      %dma_wait3A_40 = tpu.memref_slice %arg5[%mul3A_28, %dma_wait3A_39] : memref<10240x72xf32, #tpu.memory_space<hbm>> -> memref<640x72xf32, #tpu.memory_space<hbm>>
      tpu.wait_dma2 semaphore(%run_scoped3A : memref<!tpu.dma_semaphore, #tpu.memory_space<semaphore_mem>>) src(%dma_wait3A_40 : memref<640x72xf32, #tpu.memory_space<hbm>>) dst(%dma_wait3A_38 : memref<640x72xf32, #tpu.memory_space<vmem_shared>>)
      tpu.yield
    }) : () -> ()
    %barrier3A = arith.constant 0 : index
    tpu.barrier barrier_id(%barrier3A)
    %scan3A = arith.constant 0 : i32
    %scan3A_29 = arith.constant 0 : i32
    %scan3A_30 = arith.constant 125 : i32
    %scan3A_31 = arith.addi %scan3A_29, %scan3A_30 : i32
    %scan3A_32 = arith.constant 1 : i32
    scf.for %scan3A_35 = %scan3A_29 to %scan3A_31 step %scan3A_32  : i32 {
      %mul3A_36 = arith.constant 10000 : i32
      %mul3A_37 = arith.muli %add3A, %mul3A_36 : i32
      %mul3A_38 = arith.constant 80 : i32
      %mul3A_39 = arith.muli %scan3A_35, %mul3A_38 : i32
      %add3A_40 = arith.addi %mul3A_37, %mul3A_39 : i32
      "tpu.region"() ({
        %run_scoped3A = tpu.sem_alloc : memref<!tpu.dma_semaphore, #tpu.memory_space<semaphore_mem>>
        %dma_start3A_63 = tpu.memref_slice %arg2[%add3A_40] : memref<320000xi32, #tpu.memory_space<hbm>> -> memref<80xi32, #tpu.memory_space<hbm>>
        %dma_start3A_64 = tpu.memref_slice %arg2[%add3A_40] : memref<320000xi32, #tpu.memory_space<hbm>> -> memref<80xi32, #tpu.memory_space<hbm>>
        tpu.enqueue_dma source(%dma_start3A_64 : memref<80xi32, #tpu.memory_space<hbm>>) target(%arg7 : memref<80xi32, #tpu.memory_space<vmem>>) target_semaphore(%run_scoped3A : memref<!tpu.dma_semaphore, #tpu.memory_space<semaphore_mem>>)
        %dma_wait3A_65 = tpu.memref_slice %arg2[%add3A_40] : memref<320000xi32, #tpu.memory_space<hbm>> -> memref<80xi32, #tpu.memory_space<hbm>>
        %dma_wait3A_66 = tpu.memref_slice %arg2[%add3A_40] : memref<320000xi32, #tpu.memory_space<hbm>> -> memref<80xi32, #tpu.memory_space<hbm>>
        tpu.wait_dma2 semaphore(%run_scoped3A : memref<!tpu.dma_semaphore, #tpu.memory_space<semaphore_mem>>) src(%dma_wait3A_66 : memref<80xi32, #tpu.memory_space<hbm>>) dst(%arg7 : memref<80xi32, #tpu.memory_space<vmem>>)
        tpu.yield
      }) : () -> ()
      "tpu.region"() ({
        %run_scoped3A = tpu.sem_alloc : memref<!tpu.dma_semaphore, #tpu.memory_space<semaphore_mem>>
        %dma_start3A_63 = tpu.memref_slice %arg3[%add3A_40] : memref<320000xi32, #tpu.memory_space<hbm>> -> memref<80xi32, #tpu.memory_space<hbm>>
        %dma_start3A_64 = tpu.memref_slice %arg3[%add3A_40] : memref<320000xi32, #tpu.memory_space<hbm>> -> memref<80xi32, #tpu.memory_space<hbm>>
        tpu.enqueue_dma source(%dma_start3A_64 : memref<80xi32, #tpu.memory_space<hbm>>) target(%arg8 : memref<80xi32, #tpu.memory_space<vmem>>) target_semaphore(%run_scoped3A : memref<!tpu.dma_semaphore, #tpu.memory_space<semaphore_mem>>)
        %dma_wait3A_65 = tpu.memref_slice %arg3[%add3A_40] : memref<320000xi32, #tpu.memory_space<hbm>> -> memref<80xi32, #tpu.memory_space<hbm>>
        %dma_wait3A_66 = tpu.memref_slice %arg3[%add3A_40] : memref<320000xi32, #tpu.memory_space<hbm>> -> memref<80xi32, #tpu.memory_space<hbm>>
        tpu.wait_dma2 semaphore(%run_scoped3A : memref<!tpu.dma_semaphore, #tpu.memory_space<semaphore_mem>>) src(%dma_wait3A_66 : memref<80xi32, #tpu.memory_space<hbm>>) dst(%arg8 : memref<80xi32, #tpu.memory_space<vmem>>)
        tpu.yield
      }) : () -> ()
      %dma_start3A = arith.constant 0 : i32
      %dma_start3A_41 = arith.constant 0 : i32
      %dma_start3A_42 = tpu.memref_slice %arg4[%dma_start3A, %dma_start3A_41] : memref<10240x128xf32, #tpu.memory_space<hbm>> -> memref<10240x128xf32, #tpu.memory_space<hbm>>
      tpu.enqueue_indirect_dma source(%dma_start3A_42 : memref<10240x128xf32, #tpu.memory_space<hbm>>) target(%arg9 : memref<80x128xf32, #tpu.memory_space<vmem>>) offsets(%arg7 : memref<80xi32, #tpu.memory_space<vmem>>) semaphore(%arg13 : memref<!tpu.dma_semaphore, #tpu.memory_space<semaphore_mem>>)
      %dma_start3A_43 = arith.constant 0 : i32
      %dma_start3A_44 = arith.constant 0 : i32
      %dma_start3A_45 = tpu.memref_slice %arg4[%dma_start3A_43, %dma_start3A_44] : memref<10240x128xf32, #tpu.memory_space<hbm>> -> memref<10240x128xf32, #tpu.memory_space<hbm>>
      tpu.enqueue_indirect_dma source(%dma_start3A_45 : memref<10240x128xf32, #tpu.memory_space<hbm>>) target(%arg10 : memref<80x128xf32, #tpu.memory_space<vmem>>) offsets(%arg8 : memref<80xi32, #tpu.memory_space<vmem>>) semaphore(%arg14 : memref<!tpu.dma_semaphore, #tpu.memory_space<semaphore_mem>>)
      %dma_wait3A = arith.constant 0 : i32
      %dma_wait3A_46 = arith.constant 0 : i32
      %dma_wait3A_47 = tpu.memref_slice %arg4[%dma_wait3A, %dma_wait3A_46] : memref<10240x128xf32, #tpu.memory_space<hbm>> -> memref<10240x128xf32, #tpu.memory_space<hbm>>
      tpu.wait_indirect_dma semaphore(%arg13 : memref<!tpu.dma_semaphore, #tpu.memory_space<semaphore_mem>>) src(%dma_wait3A_47 : memref<10240x128xf32, #tpu.memory_space<hbm>>) dst(%arg9 : memref<80x128xf32, #tpu.memory_space<vmem>>)
      %dma_wait3A_48 = arith.constant 0 : i32
      %dma_wait3A_49 = arith.constant 0 : i32
      %dma_wait3A_50 = tpu.memref_slice %arg4[%dma_wait3A_48, %dma_wait3A_49] : memref<10240x128xf32, #tpu.memory_space<hbm>> -> memref<10240x128xf32, #tpu.memory_space<hbm>>
      tpu.wait_indirect_dma semaphore(%arg14 : memref<!tpu.dma_semaphore, #tpu.memory_space<semaphore_mem>>) src(%dma_wait3A_50 : memref<10240x128xf32, #tpu.memory_space<hbm>>) dst(%arg10 : memref<80x128xf32, #tpu.memory_space<vmem>>)
      %scan3A_51 = arith.constant 0 : i32
      %scan3A_52 = arith.constant 0 : i32
      %scan3A_53 = arith.constant 40 : i32
      %scan3A_54 = arith.addi %scan3A_52, %scan3A_53 : i32
      %scan3A_55 = arith.constant 1 : i32
      scf.for %scan3A_63 = %scan3A_52 to %scan3A_54 step %scan3A_55  : i32 {
        %mul3A_64 = arith.constant 2 : i32
        %mul3A_65 = arith.muli %mul3A_64, %scan3A_63 : i32
        %add3A_66 = vector.broadcast %mul3A_65 : i32 to vector<16xi32>
        %add3A_67 = arith.addi %select_n3A, %add3A_66 : vector<16xi32>
        %add3A_68 = arith.constant 64 : i32
        %add3A_69 = vector.broadcast %add3A_68 : i32 to vector<16xi32>
        %add3A_70 = arith.addi %and3A_26, %add3A_69 : vector<16xi32>
        %gather3A = tpu.vector_load_idx %arg9[%add3A_67, %add3A_70] : memref<80x128xf32, #tpu.memory_space<vmem>>[vector<16xi32>, vector<16xi32>], vector<16xf32>,
        %add3A_71 = arith.constant 72 : i32
        %add3A_72 = vector.broadcast %add3A_71 : i32 to vector<16xi32>
        %add3A_73 = arith.addi %and3A_26, %add3A_72 : vector<16xi32>
        %gather3A_74 = tpu.vector_load_idx %arg10[%add3A_67, %add3A_73] : memref<80x128xf32, #tpu.memory_space<vmem>>[vector<16xi32>, vector<16xi32>], vector<16xf32>,
        %add3A_75 = arith.addf %gather3A, %gather3A_74 : vector<16xf32>
        %mul3A_76 = arith.constant 2.000000e-01 : f32
        %mul3A_77 = vector.broadcast %mul3A_76 : f32 to vector<16xf32>
        %mul3A_78 = arith.mulf %mul3A_77, %add3A_75 : vector<16xf32>
        %max3A = arith.maximumf %add3A_75, %mul3A_78 : vector<16xf32>
        %exp3A = math.exp %max3A : vector<16xf32>
        %add3A_79 = arith.constant 64 : i32
        %add3A_80 = vector.broadcast %add3A_79 : i32 to vector<16xi32>
        %add3A_81 = arith.addi %and3A_26, %add3A_80 : vector<16xi32>
        tpu.vector_store_idx %arg11[%add3A_67, %add3A_81], %exp3A : memref<80x72xf32, #tpu.memory_space<vmem>>[vector<16xi32>, vector<16xi32>], vector<16xf32>,
      }
      %scan3A_56 = arith.constant 40 : i32
      %scan3A_57 = arith.constant 0 : i32
      %scan3A_58 = arith.constant 0 : i32
      %scan3A_59 = arith.constant 80 : i32
      %scan3A_60 = arith.addi %scan3A_58, %scan3A_59 : i32
      %scan3A_61 = arith.constant 1 : i32
      scf.for %scan3A_63 = %scan3A_58 to %scan3A_60 step %scan3A_61  : i32 {
        %broadcast_in_dim3A = vector.broadcast %scan3A_63 : i32 to vector<16xi32>
        %add3A_64 = arith.constant 0 : i32
        %add3A_65 = vector.broadcast %add3A_64 : i32 to vector<16xi32>
        %add3A_66 = arith.addi %add3A_65, %iota3A : vector<16xi32>
        %add3A_67 = arith.constant 64 : i32
        %add3A_68 = vector.broadcast %add3A_67 : i32 to vector<16xi32>
        %add3A_69 = arith.addi %add3A_68, %select_n3A : vector<16xi32>
        %gather3A = tpu.vector_load_idx %arg11[%broadcast_in_dim3A, %add3A_69] : memref<80x72xf32, #tpu.memory_space<vmem>>[vector<16xi32>, vector<16xi32>], vector<16xf32>,
        %gather3A_70 = tpu.vector_load_idx %arg9[%broadcast_in_dim3A, %add3A_66] : memref<80x128xf32, #tpu.memory_space<vmem>>[vector<16xi32>, vector<16xi32>], vector<16xf32>,
        %mul3A_71 = arith.mulf %gather3A_70, %gather3A : vector<16xf32>
        tpu.vector_store_idx %arg11[%broadcast_in_dim3A, %add3A_66], %mul3A_71 : memref<80x72xf32, #tpu.memory_space<vmem>>[vector<16xi32>, vector<16xi32>], vector<16xf32>,
        %add3A_72 = arith.constant 16 : i32
        %add3A_73 = vector.broadcast %add3A_72 : i32 to vector<16xi32>
        %add3A_74 = arith.addi %add3A_73, %iota3A : vector<16xi32>
        %add3A_75 = arith.constant 66 : i32
        %add3A_76 = vector.broadcast %add3A_75 : i32 to vector<16xi32>
        %add3A_77 = arith.addi %add3A_76, %select_n3A : vector<16xi32>
        %gather3A_78 = tpu.vector_load_idx %arg11[%broadcast_in_dim3A, %add3A_77] : memref<80x72xf32, #tpu.memory_space<vmem>>[vector<16xi32>, vector<16xi32>], vector<16xf32>,
        %gather3A_79 = tpu.vector_load_idx %arg9[%broadcast_in_dim3A, %add3A_74] : memref<80x128xf32, #tpu.memory_space<vmem>>[vector<16xi32>, vector<16xi32>], vector<16xf32>,
        %mul3A_80 = arith.mulf %gather3A_79, %gather3A_78 : vector<16xf32>
        tpu.vector_store_idx %arg11[%broadcast_in_dim3A, %add3A_74], %mul3A_80 : memref<80x72xf32, #tpu.memory_space<vmem>>[vector<16xi32>, vector<16xi32>], vector<16xf32>,
        %add3A_81 = arith.constant 32 : i32
        %add3A_82 = vector.broadcast %add3A_81 : i32 to vector<16xi32>
        %add3A_83 = arith.addi %add3A_82, %iota3A : vector<16xi32>
        %add3A_84 = arith.constant 68 : i32
        %add3A_85 = vector.broadcast %add3A_84 : i32 to vector<16xi32>
        %add3A_86 = arith.addi %add3A_85, %select_n3A : vector<16xi32>
        %gather3A_87 = tpu.vector_load_idx %arg11[%broadcast_in_dim3A, %add3A_86] : memref<80x72xf32, #tpu.memory_space<vmem>>[vector<16xi32>, vector<16xi32>], vector<16xf32>,
        %gather3A_88 = tpu.vector_load_idx %arg9[%broadcast_in_dim3A, %add3A_83] : memref<80x128xf32, #tpu.memory_space<vmem>>[vector<16xi32>, vector<16xi32>], vector<16xf32>,
        %mul3A_89 = arith.mulf %gather3A_88, %gather3A_87 : vector<16xf32>
        tpu.vector_store_idx %arg11[%broadcast_in_dim3A, %add3A_83], %mul3A_89 : memref<80x72xf32, #tpu.memory_space<vmem>>[vector<16xi32>, vector<16xi32>], vector<16xf32>,
        %add3A_90 = arith.constant 48 : i32
        %add3A_91 = vector.broadcast %add3A_90 : i32 to vector<16xi32>
        %add3A_92 = arith.addi %add3A_91, %iota3A : vector<16xi32>
        %add3A_93 = arith.constant 70 : i32
        %add3A_94 = vector.broadcast %add3A_93 : i32 to vector<16xi32>
        %add3A_95 = arith.addi %add3A_94, %select_n3A : vector<16xi32>
        %gather3A_96 = tpu.vector_load_idx %arg11[%broadcast_in_dim3A, %add3A_95] : memref<80x72xf32, #tpu.memory_space<vmem>>[vector<16xi32>, vector<16xi32>], vector<16xf32>,
        %gather3A_97 = tpu.vector_load_idx %arg9[%broadcast_in_dim3A, %add3A_92] : memref<80x128xf32, #tpu.memory_space<vmem>>[vector<16xi32>, vector<16xi32>], vector<16xf32>,
        %mul3A_98 = arith.mulf %gather3A_97, %gather3A_96 : vector<16xf32>
        tpu.vector_store_idx %arg11[%broadcast_in_dim3A, %add3A_92], %mul3A_98 : memref<80x72xf32, #tpu.memory_space<vmem>>[vector<16xi32>, vector<16xi32>], vector<16xf32>,
      }
      %scan3A_62 = arith.constant 80 : i32
      "tpu.region"() ({
        %run_scoped3A = tpu.sem_alloc : memref<!tpu.dma_semaphore, #tpu.memory_space<semaphore_mem>>
        %dma_start3A_63 = arith.constant 0 : i32
        %dma_start3A_64 = arith.constant 0 : i32
        %dma_start3A_65 = tpu.memref_slice %arg12[%dma_start3A_63, %dma_start3A_64] : memref<10240x72xf32, #tpu.memory_space<vmem_shared>> -> memref<10240x72xf32, #tpu.memory_space<vmem_shared>>
        tpu.enqueue_indirect_dma source(%arg11 : memref<80x72xf32, #tpu.memory_space<vmem>>) target(%dma_start3A_65 : memref<10240x72xf32, #tpu.memory_space<vmem_shared>>) offsets(%arg8 : memref<80xi32, #tpu.memory_space<vmem>>) semaphore(%run_scoped3A : memref<!tpu.dma_semaphore, #tpu.memory_space<semaphore_mem>>) {add = true}
        %dma_wait3A_66 = arith.constant 0 : i32
        %dma_wait3A_67 = arith.constant 0 : i32
        %dma_wait3A_68 = tpu.memref_slice %arg12[%dma_wait3A_66, %dma_wait3A_67] : memref<10240x72xf32, #tpu.memory_space<vmem_shared>> -> memref<10240x72xf32, #tpu.memory_space<vmem_shared>>
        tpu.wait_indirect_dma semaphore(%run_scoped3A : memref<!tpu.dma_semaphore, #tpu.memory_space<semaphore_mem>>) src(%arg11 : memref<80x72xf32, #tpu.memory_space<vmem>>) dst(%dma_wait3A_68 : memref<10240x72xf32, #tpu.memory_space<vmem_shared>>)
        tpu.yield
      }) : () -> ()
    }
    %scan3A_33 = arith.constant 125 : i32
    %barrier3A_34 = arith.constant 0 : index
    tpu.barrier barrier_id(%barrier3A_34)
    "tpu.region"() ({
      %run_scoped3A = tpu.sem_alloc : memref<!tpu.dma_semaphore, #tpu.memory_space<semaphore_mem>>
      %dma_start3A = arith.constant 0 : i32
      %dma_start3A_35 = tpu.memref_slice %arg6[%arg0, %mul3A_28, %dma_start3A] : memref<2x10240x72xf32, #tpu.memory_space<hbm>> -> memref<1x640x72xf32, #tpu.memory_space<hbm>>
      %dma_start3A_36 = tpu.memref_squeeze %dma_start3A_35 : memref<1x640x72xf32, #tpu.memory_space<hbm>> -> memref<640x72xf32, #tpu.memory_space<hbm>>
      %dma_start3A_37 = arith.constant 0 : i32
      %dma_start3A_38 = tpu.memref_slice %arg12[%mul3A_28, %dma_start3A_37] : memref<10240x72xf32, #tpu.memory_space<vmem_shared>> -> memref<640x72xf32, #tpu.memory_space<vmem_shared>>
      tpu.enqueue_dma source(%dma_start3A_38 : memref<640x72xf32, #tpu.memory_space<vmem_shared>>) target(%dma_start3A_36 : memref<640x72xf32, #tpu.memory_space<hbm>>) target_semaphore(%run_scoped3A : memref<!tpu.dma_semaphore, #tpu.memory_space<semaphore_mem>>)
      %dma_wait3A = arith.constant 0 : i32
      %dma_wait3A_39 = tpu.memref_slice %arg6[%arg0, %mul3A_28, %dma_wait3A] : memref<2x10240x72xf32, #tpu.memory_space<hbm>> -> memref<1x640x72xf32, #tpu.memory_space<hbm>>
      %dma_wait3A_40 = tpu.memref_squeeze %dma_wait3A_39 : memref<1x640x72xf32, #tpu.memory_space<hbm>> -> memref<640x72xf32, #tpu.memory_space<hbm>>
      %dma_wait3A_41 = arith.constant 0 : i32
      %dma_wait3A_42 = tpu.memref_slice %arg12[%mul3A_28, %dma_wait3A_41] : memref<10240x72xf32, #tpu.memory_space<vmem_shared>> -> memref<640x72xf32, #tpu.memory_space<vmem_shared>>
      tpu.wait_dma2 semaphore(%run_scoped3A : memref<!tpu.dma_semaphore, #tpu.memory_space<semaphore_mem>>) src(%dma_wait3A_42 : memref<640x72xf32, #tpu.memory_space<vmem_shared>>) dst(%dma_wait3A_40 : memref<640x72xf32, #tpu.memory_space<hbm>>)
      tpu.yield
    }) : () -> ()
    return
  }
}

#map = affine_map<(d0, d1) -> (0)>
#map1 = affine_map<(d0, d1) -> (0, 0)>
#map2 = affine_map<(d0, d1) -> (0, 0, 0)>
module attributes {stable_mosaic.version = 14 : i64} {
  func.func @_layer1(%arg0: i32, %arg1: i32, %arg2: memref<320000xi32, #tpu.memory_space<hbm>>, %arg3: memref<320000xi32, #tpu.memory_space<hbm>>, %arg4: memref<10240x128xf32, #tpu.memory_space<hbm>>, %arg5: memref<10240x48xf32, #tpu.memory_space<hbm>>, %arg6: memref<2x10240x48xf32, #tpu.memory_space<hbm>>, %arg7: memref<80xi32, #tpu.memory_space<vmem>>, %arg8: memref<80xi32, #tpu.memory_space<vmem>>, %arg9: memref<80x128xf32, #tpu.memory_space<vmem>>, %arg10: memref<80x128xf32, #tpu.memory_space<vmem>>, %arg11: memref<80x48xf32, #tpu.memory_space<vmem>>, %arg12: memref<10240x48xf32, #tpu.memory_space<vmem_shared>>, %arg13: memref<!tpu.dma_semaphore, #tpu.memory_space<semaphore_mem>>, %arg14: memref<!tpu.dma_semaphore, #tpu.memory_space<semaphore_mem>>) attributes {dimension_semantics = [#tpu.dimension_semantics<core_parallel>, #tpu.dimension_semantics<subcore_parallel>], iteration_bounds = array<i64: 2, 16>, scalar_prefetch = 0 : i64, scratch_operands = 8 : i64, tpu.core_type = #tpu.core_type<sc_vector_subcore>, window_params = [{transform_indices = #map}, {transform_indices = #map}, {transform_indices = #map1}, {transform_indices = #map1}, {transform_indices = #map2}]} {
    %mul3A = arith.constant 16 : i32
    %mul3A_0 = arith.muli %arg0, %mul3A : i32
    %add3A = arith.addi %mul3A_0, %arg1 : i32
    %iota3A = tpu.iota {dimensions = array<i32: 0>} : vector<16xi32>
    %broadcast_in_dim3A = arith.constant 0 : i32
    %broadcast_in_dim3A_1 = vector.broadcast %broadcast_in_dim3A : i32 to vector<16xi32>
    %add3A_2 = arith.constant 40 : i32
    %add3A_3 = vector.broadcast %add3A_2 : i32 to vector<16xi32>
    %add3A_4 = arith.addi %broadcast_in_dim3A_1, %add3A_3 : vector<16xi32>
    %add3A_5 = arith.constant 41 : i32
    %add3A_6 = vector.broadcast %add3A_5 : i32 to vector<16xi32>
    %add3A_7 = arith.addi %broadcast_in_dim3A_1, %add3A_6 : vector<16xi32>
    %lt3A = arith.constant 8 : i32
    %lt3A_8 = vector.broadcast %lt3A : i32 to vector<16xi32>
    %lt3A_9 = arith.cmpi slt, %iota3A, %lt3A_8 : vector<16xi32>
    %mul3A_10 = arith.constant 640 : i32
    %mul3A_11 = arith.muli %arg1, %mul3A_10 : i32
    "tpu.region"() ({
      %run_scoped3A = tpu.sem_alloc : memref<!tpu.dma_semaphore, #tpu.memory_space<semaphore_mem>>
      %dma_start3A = arith.constant 0 : i32
      %dma_start3A_18 = tpu.memref_slice %arg12[%mul3A_11, %dma_start3A] : memref<10240x48xf32, #tpu.memory_space<vmem_shared>> -> memref<640x48xf32, #tpu.memory_space<vmem_shared>>
      %dma_start3A_19 = arith.constant 0 : i32
      %dma_start3A_20 = tpu.memref_slice %arg5[%mul3A_11, %dma_start3A_19] : memref<10240x48xf32, #tpu.memory_space<hbm>> -> memref<640x48xf32, #tpu.memory_space<hbm>>
      tpu.enqueue_dma source(%dma_start3A_20 : memref<640x48xf32, #tpu.memory_space<hbm>>) target(%dma_start3A_18 : memref<640x48xf32, #tpu.memory_space<vmem_shared>>) target_semaphore(%run_scoped3A : memref<!tpu.dma_semaphore, #tpu.memory_space<semaphore_mem>>)
      %dma_wait3A = arith.constant 0 : i32
      %dma_wait3A_21 = tpu.memref_slice %arg12[%mul3A_11, %dma_wait3A] : memref<10240x48xf32, #tpu.memory_space<vmem_shared>> -> memref<640x48xf32, #tpu.memory_space<vmem_shared>>
      %dma_wait3A_22 = arith.constant 0 : i32
      %dma_wait3A_23 = tpu.memref_slice %arg5[%mul3A_11, %dma_wait3A_22] : memref<10240x48xf32, #tpu.memory_space<hbm>> -> memref<640x48xf32, #tpu.memory_space<hbm>>
      tpu.wait_dma2 semaphore(%run_scoped3A : memref<!tpu.dma_semaphore, #tpu.memory_space<semaphore_mem>>) src(%dma_wait3A_23 : memref<640x48xf32, #tpu.memory_space<hbm>>) dst(%dma_wait3A_21 : memref<640x48xf32, #tpu.memory_space<vmem_shared>>)
      tpu.yield
    }) : () -> ()
    "tpu.region"() ({
      %run_scoped3A = tpu.sem_alloc : memref<!tpu.dma_semaphore, #tpu.memory_space<semaphore_mem>>
      %dma_start3A = arith.constant 0 : i32
      %dma_start3A_18 = arith.constant 0 : i32
      %dma_start3A_19 = tpu.memref_slice %arg5[%dma_start3A, %dma_start3A_18] : memref<10240x48xf32, #tpu.memory_space<hbm>> -> memref<80x48xf32, #tpu.memory_space<hbm>>
      %dma_start3A_20 = arith.constant 0 : i32
      %dma_start3A_21 = arith.constant 0 : i32
      %dma_start3A_22 = tpu.memref_slice %arg5[%dma_start3A_20, %dma_start3A_21] : memref<10240x48xf32, #tpu.memory_space<hbm>> -> memref<80x48xf32, #tpu.memory_space<hbm>>
      tpu.enqueue_dma source(%dma_start3A_22 : memref<80x48xf32, #tpu.memory_space<hbm>>) target(%arg11 : memref<80x48xf32, #tpu.memory_space<vmem>>) target_semaphore(%run_scoped3A : memref<!tpu.dma_semaphore, #tpu.memory_space<semaphore_mem>>)
      %dma_wait3A = arith.constant 0 : i32
      %dma_wait3A_23 = arith.constant 0 : i32
      %dma_wait3A_24 = tpu.memref_slice %arg5[%dma_wait3A, %dma_wait3A_23] : memref<10240x48xf32, #tpu.memory_space<hbm>> -> memref<80x48xf32, #tpu.memory_space<hbm>>
      %dma_wait3A_25 = arith.constant 0 : i32
      %dma_wait3A_26 = arith.constant 0 : i32
      %dma_wait3A_27 = tpu.memref_slice %arg5[%dma_wait3A_25, %dma_wait3A_26] : memref<10240x48xf32, #tpu.memory_space<hbm>> -> memref<80x48xf32, #tpu.memory_space<hbm>>
      tpu.wait_dma2 semaphore(%run_scoped3A : memref<!tpu.dma_semaphore, #tpu.memory_space<semaphore_mem>>) src(%dma_wait3A_27 : memref<80x48xf32, #tpu.memory_space<hbm>>) dst(%arg11 : memref<80x48xf32, #tpu.memory_space<vmem>>)
      tpu.yield
    }) : () -> ()
    %barrier3A = arith.constant 0 : index
    tpu.barrier barrier_id(%barrier3A)
    %scan3A = arith.constant 0 : i32
    %scan3A_12 = arith.constant 0 : i32
    %scan3A_13 = arith.constant 125 : i32
    %scan3A_14 = arith.addi %scan3A_12, %scan3A_13 : i32
    %scan3A_15 = arith.constant 1 : i32
    scf.for %scan3A_18 = %scan3A_12 to %scan3A_14 step %scan3A_15  : i32 {
      %mul3A_19 = arith.constant 10000 : i32
      %mul3A_20 = arith.muli %add3A, %mul3A_19 : i32
      %mul3A_21 = arith.constant 80 : i32
      %mul3A_22 = arith.muli %scan3A_18, %mul3A_21 : i32
      %add3A_23 = arith.addi %mul3A_20, %mul3A_22 : i32
      "tpu.region"() ({
        %run_scoped3A = tpu.sem_alloc : memref<!tpu.dma_semaphore, #tpu.memory_space<semaphore_mem>>
        %dma_start3A_46 = tpu.memref_slice %arg2[%add3A_23] : memref<320000xi32, #tpu.memory_space<hbm>> -> memref<80xi32, #tpu.memory_space<hbm>>
        %dma_start3A_47 = tpu.memref_slice %arg2[%add3A_23] : memref<320000xi32, #tpu.memory_space<hbm>> -> memref<80xi32, #tpu.memory_space<hbm>>
        tpu.enqueue_dma source(%dma_start3A_47 : memref<80xi32, #tpu.memory_space<hbm>>) target(%arg7 : memref<80xi32, #tpu.memory_space<vmem>>) target_semaphore(%run_scoped3A : memref<!tpu.dma_semaphore, #tpu.memory_space<semaphore_mem>>)
        %dma_wait3A_48 = tpu.memref_slice %arg2[%add3A_23] : memref<320000xi32, #tpu.memory_space<hbm>> -> memref<80xi32, #tpu.memory_space<hbm>>
        %dma_wait3A_49 = tpu.memref_slice %arg2[%add3A_23] : memref<320000xi32, #tpu.memory_space<hbm>> -> memref<80xi32, #tpu.memory_space<hbm>>
        tpu.wait_dma2 semaphore(%run_scoped3A : memref<!tpu.dma_semaphore, #tpu.memory_space<semaphore_mem>>) src(%dma_wait3A_49 : memref<80xi32, #tpu.memory_space<hbm>>) dst(%arg7 : memref<80xi32, #tpu.memory_space<vmem>>)
        tpu.yield
      }) : () -> ()
      "tpu.region"() ({
        %run_scoped3A = tpu.sem_alloc : memref<!tpu.dma_semaphore, #tpu.memory_space<semaphore_mem>>
        %dma_start3A_46 = tpu.memref_slice %arg3[%add3A_23] : memref<320000xi32, #tpu.memory_space<hbm>> -> memref<80xi32, #tpu.memory_space<hbm>>
        %dma_start3A_47 = tpu.memref_slice %arg3[%add3A_23] : memref<320000xi32, #tpu.memory_space<hbm>> -> memref<80xi32, #tpu.memory_space<hbm>>
        tpu.enqueue_dma source(%dma_start3A_47 : memref<80xi32, #tpu.memory_space<hbm>>) target(%arg8 : memref<80xi32, #tpu.memory_space<vmem>>) target_semaphore(%run_scoped3A : memref<!tpu.dma_semaphore, #tpu.memory_space<semaphore_mem>>)
        %dma_wait3A_48 = tpu.memref_slice %arg3[%add3A_23] : memref<320000xi32, #tpu.memory_space<hbm>> -> memref<80xi32, #tpu.memory_space<hbm>>
        %dma_wait3A_49 = tpu.memref_slice %arg3[%add3A_23] : memref<320000xi32, #tpu.memory_space<hbm>> -> memref<80xi32, #tpu.memory_space<hbm>>
        tpu.wait_dma2 semaphore(%run_scoped3A : memref<!tpu.dma_semaphore, #tpu.memory_space<semaphore_mem>>) src(%dma_wait3A_49 : memref<80xi32, #tpu.memory_space<hbm>>) dst(%arg8 : memref<80xi32, #tpu.memory_space<vmem>>)
        tpu.yield
      }) : () -> ()
      %dma_start3A = arith.constant 0 : i32
      %dma_start3A_24 = arith.constant 0 : i32
      %dma_start3A_25 = tpu.memref_slice %arg4[%dma_start3A, %dma_start3A_24] : memref<10240x128xf32, #tpu.memory_space<hbm>> -> memref<10240x128xf32, #tpu.memory_space<hbm>>
      tpu.enqueue_indirect_dma source(%dma_start3A_25 : memref<10240x128xf32, #tpu.memory_space<hbm>>) target(%arg9 : memref<80x128xf32, #tpu.memory_space<vmem>>) offsets(%arg7 : memref<80xi32, #tpu.memory_space<vmem>>) semaphore(%arg13 : memref<!tpu.dma_semaphore, #tpu.memory_space<semaphore_mem>>)
      %dma_start3A_26 = arith.constant 0 : i32
      %dma_start3A_27 = arith.constant 0 : i32
      %dma_start3A_28 = tpu.memref_slice %arg4[%dma_start3A_26, %dma_start3A_27] : memref<10240x128xf32, #tpu.memory_space<hbm>> -> memref<10240x128xf32, #tpu.memory_space<hbm>>
      tpu.enqueue_indirect_dma source(%dma_start3A_28 : memref<10240x128xf32, #tpu.memory_space<hbm>>) target(%arg10 : memref<80x128xf32, #tpu.memory_space<vmem>>) offsets(%arg8 : memref<80xi32, #tpu.memory_space<vmem>>) semaphore(%arg14 : memref<!tpu.dma_semaphore, #tpu.memory_space<semaphore_mem>>)
      %dma_wait3A = arith.constant 0 : i32
      %dma_wait3A_29 = arith.constant 0 : i32
      %dma_wait3A_30 = tpu.memref_slice %arg4[%dma_wait3A, %dma_wait3A_29] : memref<10240x128xf32, #tpu.memory_space<hbm>> -> memref<10240x128xf32, #tpu.memory_space<hbm>>
      tpu.wait_indirect_dma semaphore(%arg13 : memref<!tpu.dma_semaphore, #tpu.memory_space<semaphore_mem>>) src(%dma_wait3A_30 : memref<10240x128xf32, #tpu.memory_space<hbm>>) dst(%arg9 : memref<80x128xf32, #tpu.memory_space<vmem>>)
      %dma_wait3A_31 = arith.constant 0 : i32
      %dma_wait3A_32 = arith.constant 0 : i32
      %dma_wait3A_33 = tpu.memref_slice %arg4[%dma_wait3A_31, %dma_wait3A_32] : memref<10240x128xf32, #tpu.memory_space<hbm>> -> memref<10240x128xf32, #tpu.memory_space<hbm>>
      tpu.wait_indirect_dma semaphore(%arg14 : memref<!tpu.dma_semaphore, #tpu.memory_space<semaphore_mem>>) src(%dma_wait3A_33 : memref<10240x128xf32, #tpu.memory_space<hbm>>) dst(%arg10 : memref<80x128xf32, #tpu.memory_space<vmem>>)
      %scan3A_34 = arith.constant 0 : i32
      %scan3A_35 = arith.constant 0 : i32
      %scan3A_36 = arith.constant 5 : i32
      %scan3A_37 = arith.addi %scan3A_35, %scan3A_36 : i32
      %scan3A_38 = arith.constant 1 : i32
      scf.for %scan3A_46 = %scan3A_35 to %scan3A_37 step %scan3A_38  : i32 {
        %mul3A_47 = arith.constant 16 : i32
        %mul3A_48 = arith.muli %mul3A_47, %scan3A_46 : i32
        %add3A_49 = vector.broadcast %mul3A_48 : i32 to vector<16xi32>
        %add3A_50 = arith.addi %add3A_49, %iota3A : vector<16xi32>
        %gather3A = tpu.vector_load_idx %arg9[%add3A_50, %add3A_4] : memref<80x128xf32, #tpu.memory_space<vmem>>[vector<16xi32>, vector<16xi32>], vector<16xf32>,
        %gather3A_51 = tpu.vector_load_idx %arg10[%add3A_50, %add3A_7] : memref<80x128xf32, #tpu.memory_space<vmem>>[vector<16xi32>, vector<16xi32>], vector<16xf32>,
        %add3A_52 = arith.addf %gather3A, %gather3A_51 : vector<16xf32>
        %mul3A_53 = arith.constant 2.000000e-01 : f32
        %mul3A_54 = vector.broadcast %mul3A_53 : f32 to vector<16xf32>
        %mul3A_55 = arith.mulf %mul3A_54, %add3A_52 : vector<16xf32>
        %max3A = arith.maximumf %add3A_52, %mul3A_55 : vector<16xf32>
        %exp3A = math.exp %max3A : vector<16xf32>
        tpu.vector_store_idx %arg11[%add3A_50, %add3A_4], %exp3A : memref<80x48xf32, #tpu.memory_space<vmem>>[vector<16xi32>, vector<16xi32>], vector<16xf32>,
      }
      %scan3A_39 = arith.constant 5 : i32
      %scan3A_40 = arith.constant 0 : i32
      %scan3A_41 = arith.constant 0 : i32
      %scan3A_42 = arith.constant 80 : i32
      %scan3A_43 = arith.addi %scan3A_41, %scan3A_42 : i32
      %scan3A_44 = arith.constant 1 : i32
      scf.for %scan3A_46 = %scan3A_41 to %scan3A_43 step %scan3A_44  : i32 {
        %broadcast_in_dim3A_47 = vector.broadcast %scan3A_46 : i32 to vector<16xi32>
        %gather3A = tpu.vector_load_idx %arg11[%broadcast_in_dim3A_47, %add3A_4] : memref<80x48xf32, #tpu.memory_space<vmem>>[vector<16xi32>, vector<16xi32>], vector<16xf32>,
        %add3A_48 = arith.constant 0 : i32
        %add3A_49 = vector.broadcast %add3A_48 : i32 to vector<16xi32>
        %add3A_50 = arith.addi %add3A_49, %iota3A : vector<16xi32>
        %gather3A_51 = tpu.vector_load_idx %arg9[%broadcast_in_dim3A_47, %add3A_50] : memref<80x128xf32, #tpu.memory_space<vmem>>[vector<16xi32>, vector<16xi32>], vector<16xf32>,
        %mul3A_52 = arith.mulf %gather3A_51, %gather3A : vector<16xf32>
        tpu.vector_store_idx %arg11[%broadcast_in_dim3A_47, %add3A_50], %mul3A_52 : memref<80x48xf32, #tpu.memory_space<vmem>>[vector<16xi32>, vector<16xi32>], vector<16xf32>,
        %add3A_53 = arith.constant 16 : i32
        %add3A_54 = vector.broadcast %add3A_53 : i32 to vector<16xi32>
        %add3A_55 = arith.addi %add3A_54, %iota3A : vector<16xi32>
        %gather3A_56 = tpu.vector_load_idx %arg9[%broadcast_in_dim3A_47, %add3A_55] : memref<80x128xf32, #tpu.memory_space<vmem>>[vector<16xi32>, vector<16xi32>], vector<16xf32>,
        %mul3A_57 = arith.mulf %gather3A_56, %gather3A : vector<16xf32>
        tpu.vector_store_idx %arg11[%broadcast_in_dim3A_47, %add3A_55], %mul3A_57 : memref<80x48xf32, #tpu.memory_space<vmem>>[vector<16xi32>, vector<16xi32>], vector<16xf32>,
        %add3A_58 = arith.constant 32 : i32
        %add3A_59 = vector.broadcast %add3A_58 : i32 to vector<16xi32>
        %add3A_60 = arith.addi %add3A_59, %iota3A : vector<16xi32>
        %gather3A_61 = tpu.vector_load_idx %arg9[%broadcast_in_dim3A_47, %add3A_60] masked %lt3A_9 : memref<80x128xf32, #tpu.memory_space<vmem>>[vector<16xi32>, vector<16xi32>], vector<16xf32>, vector<16xi1>
        %mul3A_62 = arith.mulf %gather3A_61, %gather3A : vector<16xf32>
        tpu.vector_store_idx %arg11[%broadcast_in_dim3A_47, %add3A_60], %mul3A_62 masked %lt3A_9 : memref<80x48xf32, #tpu.memory_space<vmem>>[vector<16xi32>, vector<16xi32>], vector<16xf32>, vector<16xi1>
      }
      %scan3A_45 = arith.constant 80 : i32
      "tpu.region"() ({
        %run_scoped3A = tpu.sem_alloc : memref<!tpu.dma_semaphore, #tpu.memory_space<semaphore_mem>>
        %dma_start3A_46 = arith.constant 0 : i32
        %dma_start3A_47 = arith.constant 0 : i32
        %dma_start3A_48 = tpu.memref_slice %arg12[%dma_start3A_46, %dma_start3A_47] : memref<10240x48xf32, #tpu.memory_space<vmem_shared>> -> memref<10240x48xf32, #tpu.memory_space<vmem_shared>>
        tpu.enqueue_indirect_dma source(%arg11 : memref<80x48xf32, #tpu.memory_space<vmem>>) target(%dma_start3A_48 : memref<10240x48xf32, #tpu.memory_space<vmem_shared>>) offsets(%arg8 : memref<80xi32, #tpu.memory_space<vmem>>) semaphore(%run_scoped3A : memref<!tpu.dma_semaphore, #tpu.memory_space<semaphore_mem>>) {add = true}
        %dma_wait3A_49 = arith.constant 0 : i32
        %dma_wait3A_50 = arith.constant 0 : i32
        %dma_wait3A_51 = tpu.memref_slice %arg12[%dma_wait3A_49, %dma_wait3A_50] : memref<10240x48xf32, #tpu.memory_space<vmem_shared>> -> memref<10240x48xf32, #tpu.memory_space<vmem_shared>>
        tpu.wait_indirect_dma semaphore(%run_scoped3A : memref<!tpu.dma_semaphore, #tpu.memory_space<semaphore_mem>>) src(%arg11 : memref<80x48xf32, #tpu.memory_space<vmem>>) dst(%dma_wait3A_51 : memref<10240x48xf32, #tpu.memory_space<vmem_shared>>)
        tpu.yield
      }) : () -> ()
    }
    %scan3A_16 = arith.constant 125 : i32
    %barrier3A_17 = arith.constant 0 : index
    tpu.barrier barrier_id(%barrier3A_17)
    "tpu.region"() ({
      %run_scoped3A = tpu.sem_alloc : memref<!tpu.dma_semaphore, #tpu.memory_space<semaphore_mem>>
      %dma_start3A = arith.constant 0 : i32
      %dma_start3A_18 = tpu.memref_slice %arg6[%arg0, %mul3A_11, %dma_start3A] : memref<2x10240x48xf32, #tpu.memory_space<hbm>> -> memref<1x640x48xf32, #tpu.memory_space<hbm>>
      %dma_start3A_19 = tpu.memref_squeeze %dma_start3A_18 : memref<1x640x48xf32, #tpu.memory_space<hbm>> -> memref<640x48xf32, #tpu.memory_space<hbm>>
      %dma_start3A_20 = arith.constant 0 : i32
      %dma_start3A_21 = tpu.memref_slice %arg12[%mul3A_11, %dma_start3A_20] : memref<10240x48xf32, #tpu.memory_space<vmem_shared>> -> memref<640x48xf32, #tpu.memory_space<vmem_shared>>
      tpu.enqueue_dma source(%dma_start3A_21 : memref<640x48xf32, #tpu.memory_space<vmem_shared>>) target(%dma_start3A_19 : memref<640x48xf32, #tpu.memory_space<hbm>>) target_semaphore(%run_scoped3A : memref<!tpu.dma_semaphore, #tpu.memory_space<semaphore_mem>>)
      %dma_wait3A = arith.constant 0 : i32
      %dma_wait3A_22 = tpu.memref_slice %arg6[%arg0, %mul3A_11, %dma_wait3A] : memref<2x10240x48xf32, #tpu.memory_space<hbm>> -> memref<1x640x48xf32, #tpu.memory_space<hbm>>
      %dma_wait3A_23 = tpu.memref_squeeze %dma_wait3A_22 : memref<1x640x48xf32, #tpu.memory_space<hbm>> -> memref<640x48xf32, #tpu.memory_space<hbm>>
      %dma_wait3A_24 = arith.constant 0 : i32
      %dma_wait3A_25 = tpu.memref_slice %arg12[%mul3A_11, %dma_wait3A_24] : memref<10240x48xf32, #tpu.memory_space<vmem_shared>> -> memref<640x48xf32, #tpu.memory_space<vmem_shared>>
      tpu.wait_dma2 semaphore(%run_scoped3A : memref<!tpu.dma_semaphore, #tpu.memory_space<semaphore_mem>>) src(%dma_wait3A_25 : memref<640x48xf32, #tpu.memory_space<vmem_shared>>) dst(%dma_wait3A_23 : memref<640x48xf32, #tpu.memory_space<hbm>>)
      tpu.yield
    }) : () -> ()
    return
  }
}

module attributes {stable_mosaic.version = 14 : i64} {
  func.func @_tc0_body(%arg0: i32, %arg1: memref<2000x128xf32, #tpu.memory_space<vmem>>, %arg2: memref<128x64xf32, #tpu.memory_space<vmem>>, %arg3: memref<64x8xf32, #tpu.memory_space<vmem>>, %arg4: memref<64x8xf32, #tpu.memory_space<vmem>>, %arg5: memref<2000x128xf32, #tpu.memory_space<vmem>>) attributes {dimension_semantics = [#tpu.dimension_semantics<arbitrary>], iteration_bounds = array<i64: 5>, scalar_prefetch = 0 : i64, scratch_operands = 0 : i64, tpu.core_type = #tpu.core_type<tc>, window_params = [{transform_indices = @transform_0, window_bounds = array<i64: 2000, 128>}, {pipeline_mode = #tpu.pipeline_mode<synchronous>, transform_indices = @transform_1, window_bounds = array<i64: 128, 64>}, {pipeline_mode = #tpu.pipeline_mode<synchronous>, transform_indices = @transform_2, window_bounds = array<i64: 64, 8>}, {pipeline_mode = #tpu.pipeline_mode<synchronous>, transform_indices = @transform_3, window_bounds = array<i64: 64, 8>}, {transform_indices = @transform_4, window_bounds = array<i64: 2000, 128>}]} {
    %get3A = arith.constant 0 : index
    %get3A_0 = arith.constant 0 : index
    %get3A_1 = vector.load %arg1[%get3A, %get3A_0] : memref<2000x128xf32, #tpu.memory_space<vmem>>, vector<2000x128xf32>
    %get3A_2 = arith.constant 0 : index
    %get3A_3 = arith.constant 0 : index
    %get3A_4 = vector.load %arg2[%get3A_2, %get3A_3] : memref<128x64xf32, #tpu.memory_space<vmem>>, vector<128x64xf32>
    %dot_general3A = arith.constant dense<0.000000e+00> : vector<2000x64xf32>
    %dot_general3A_5 = tpu.matmul %get3A_1, %get3A_4, %dot_general3A {dimension_numbers = #tpu.dot_dimension_numbers<[1], [0], [0], [1], [0, 0, 1, 1], [], []>, transpose_lhs_hint = false} : vector<2000x128xf32>, vector<128x64xf32>, vector<2000x64xf32> -> vector<2000x64xf32>
    %get3A_6 = arith.constant 0 : index
    %get3A_7 = arith.constant 0 : index
    %get3A_8 = vector.load %arg3[%get3A_6, %get3A_7] : memref<64x8xf32, #tpu.memory_space<vmem>>, vector<64x8xf32>
    %dot_general3A_9 = arith.constant dense<0.000000e+00> : vector<2000x8xf32>
    %dot_general3A_10 = tpu.matmul %dot_general3A_5, %get3A_8, %dot_general3A_9 {dimension_numbers = #tpu.dot_dimension_numbers<[1], [0], [0], [1], [0, 0, 1, 1], [], []>, transpose_lhs_hint = false} : vector<2000x64xf32>, vector<64x8xf32>, vector<2000x8xf32> -> vector<2000x8xf32>
    %get3A_11 = arith.constant 0 : index
    %get3A_12 = arith.constant 0 : index
    %get3A_13 = vector.load %arg4[%get3A_11, %get3A_12] : memref<64x8xf32, #tpu.memory_space<vmem>>, vector<64x8xf32>
    %dot_general3A_14 = arith.constant dense<0.000000e+00> : vector<2000x8xf32>
    %dot_general3A_15 = tpu.matmul %dot_general3A_5, %get3A_13, %dot_general3A_14 {dimension_numbers = #tpu.dot_dimension_numbers<[1], [0], [0], [1], [0, 0, 1, 1], [], []>, transpose_lhs_hint = false} : vector<2000x64xf32>, vector<64x8xf32>, vector<2000x8xf32> -> vector<2000x8xf32>
    %broadcast_in_dim3A = arith.constant 0.000000e+00 : f32
    %broadcast_in_dim3A_16 = vector.broadcast %broadcast_in_dim3A : f32 to vector<2000x48xf32>
    %concatenate3A = tpu.concatenate %dot_general3A_5, %dot_general3A_10, %dot_general3A_15, %broadcast_in_dim3A_16 in 1 : vector<2000x64xf32>, vector<2000x8xf32>, vector<2000x8xf32>, vector<2000x48xf32> -> vector<2000x128xf32>
    %swap3A = arith.constant 0 : index
    %swap3A_17 = arith.constant 0 : index
    %swap3A_18 = vector.load %arg5[%swap3A, %swap3A_17] : memref<2000x128xf32, #tpu.memory_space<vmem>>, vector<2000x128xf32>
    tpu.vector_store %arg5[%swap3A, %swap3A_17], %concatenate3A {strides = array<i32>} : memref<2000x128xf32, #tpu.memory_space<vmem>>, vector<2000x128xf32>,
    return
  }
  func.func @transform_0(%arg0: i32) -> (i32, i32) {
    %c0_i32 = arith.constant 0 : i32
    %c0_i32_0 = arith.constant 0 : i32
    return %arg0, %c0_i32 : i32, i32
  }
  func.func @transform_1(%arg0: i32) -> (i32, i32) {
    %c0_i32 = arith.constant 0 : i32
    %c0_i32_0 = arith.constant 0 : i32
    %c0_i32_1 = arith.constant 0 : i32
    return %c0_i32, %c0_i32_0 : i32, i32
  }
  func.func @transform_2(%arg0: i32) -> (i32, i32) {
    %c0_i32 = arith.constant 0 : i32
    %c0_i32_0 = arith.constant 0 : i32
    %c0_i32_1 = arith.constant 0 : i32
    return %c0_i32, %c0_i32_0 : i32, i32
  }
  func.func @transform_3(%arg0: i32) -> (i32, i32) {
    %c0_i32 = arith.constant 0 : i32
    %c0_i32_0 = arith.constant 0 : i32
    %c0_i32_1 = arith.constant 0 : i32
    return %c0_i32, %c0_i32_0 : i32, i32
  }
  func.func @transform_4(%arg0: i32) -> (i32, i32) {
    %c0_i32 = arith.constant 0 : i32
    %c0_i32_0 = arith.constant 0 : i32
    return %arg0, %c0_i32 : i32, i32
  }
}

module attributes {stable_mosaic.version = 14 : i64} {
  func.func @_tc2_body(%arg0: i32, %arg1: memref<2x2000x72xf32, #tpu.memory_space<vmem>>, %arg2: memref<1x64xf32, #tpu.memory_space<vmem>>, %arg3: memref<64x40xf32, #tpu.memory_space<vmem>>, %arg4: memref<40x8xf32, #tpu.memory_space<vmem>>, %arg5: memref<8x64xf32, #tpu.memory_space<vmem>>, %arg6: memref<2000x128xf32, #tpu.memory_space<vmem>>) attributes {dimension_semantics = [#tpu.dimension_semantics<arbitrary>], iteration_bounds = array<i64: 5>, scalar_prefetch = 0 : i64, scratch_operands = 0 : i64, tpu.core_type = #tpu.core_type<tc>, window_params = [{transform_indices = @transform_0, window_bounds = array<i64: 2, 2000, 72>}, {pipeline_mode = #tpu.pipeline_mode<synchronous>, transform_indices = @transform_1, window_bounds = array<i64: 1, 64>}, {pipeline_mode = #tpu.pipeline_mode<synchronous>, transform_indices = @transform_2, window_bounds = array<i64: 64, 40>}, {pipeline_mode = #tpu.pipeline_mode<synchronous>, transform_indices = @transform_3, window_bounds = array<i64: 40, 8>}, {pipeline_mode = #tpu.pipeline_mode<synchronous>, transform_indices = @transform_4, window_bounds = array<i64: 8, 64>}, {transform_indices = @transform_5, window_bounds = array<i64: 2000, 128>}]} {
    %get3A = arith.constant 0 : index
    %get3A_0 = arith.constant 0 : index
    %get3A_1 = arith.constant 0 : index
    %get3A_2 = vector.load %arg1[%get3A, %get3A_0, %get3A_1] : memref<2x2000x72xf32, #tpu.memory_space<vmem>>, vector<1x2000x72xf32>
    %get3A_3 = vector.shape_cast %get3A_2 : vector<1x2000x72xf32> to vector<2000x72xf32>
    %get3A_4 = arith.constant 1 : index
    %get3A_5 = arith.constant 0 : index
    %get3A_6 = arith.constant 0 : index
    %get3A_7 = vector.load %arg1[%get3A_4, %get3A_5, %get3A_6] : memref<2x2000x72xf32, #tpu.memory_space<vmem>>, vector<1x2000x72xf32>
    %get3A_8 = vector.shape_cast %get3A_7 : vector<1x2000x72xf32> to vector<2000x72xf32>
    %add3A = arith.addf %get3A_3, %get3A_8 : vector<2000x72xf32>
    %slice3A = vector.extract_strided_slice %add3A {offsets = [0, 64], sizes = [2000, 8], strides = [1, 1]} : vector<2000x72xf32> to vector<2000x8xf32>
    %add3A_9 = arith.constant 9.99999971E-10 : f32
    %add3A_10 = vector.broadcast %add3A_9 : f32 to vector<2000x8xf32>
    %add3A_11 = arith.addf %slice3A, %add3A_10 : vector<2000x8xf32>
    %div3A = arith.constant 1.000000e+00 : f32
    %div3A_12 = vector.broadcast %div3A : f32 to vector<2000x8xf32>
    %div3A_13 = arith.divf %div3A_12, %add3A_11 : vector<2000x8xf32>
    %get3A_14 = arith.constant 0 : index
    %get3A_15 = arith.constant 0 : index
    %get3A_16 = vector.load %arg5[%get3A_14, %get3A_15] : memref<8x64xf32, #tpu.memory_space<vmem>>, vector<8x64xf32>
    %dot_general3A = arith.constant dense<0.000000e+00> : vector<2000x64xf32>
    %dot_general3A_17 = tpu.matmul %div3A_13, %get3A_16, %dot_general3A {dimension_numbers = #tpu.dot_dimension_numbers<[1], [0], [0], [1], [0, 0, 1, 1], [], []>, transpose_lhs_hint = false} : vector<2000x8xf32>, vector<8x64xf32>, vector<2000x64xf32> -> vector<2000x64xf32>
    %slice3A_18 = vector.extract_strided_slice %add3A {offsets = [0, 0], sizes = [2000, 64], strides = [1, 1]} : vector<2000x72xf32> to vector<2000x64xf32>
    %mul3A = arith.mulf %slice3A_18, %dot_general3A_17 : vector<2000x64xf32>
    %get3A_19 = arith.constant 0 : index
    %get3A_20 = arith.constant 0 : index
    %get3A_21 = vector.load %arg2[%get3A_19, %get3A_20] : memref<1x64xf32, #tpu.memory_space<vmem>>, vector<1x64xf32>
    %add3A_22 = vector.broadcast %get3A_21 : vector<1x64xf32> to vector<2000x64xf32>
    %add3A_23 = arith.addf %mul3A, %add3A_22 : vector<2000x64xf32>
    %gt3A = arith.constant 0.000000e+00 : f32
    %gt3A_24 = vector.broadcast %gt3A : f32 to vector<2000x64xf32>
    %gt3A_25 = arith.cmpf ogt, %add3A_23, %gt3A_24 : vector<2000x64xf32>
    %min3A = arith.constant 0.000000e+00 : f32
    %min3A_26 = vector.broadcast %min3A : f32 to vector<2000x64xf32>
    %min3A_27 = arith.minimumf %add3A_23, %min3A_26 : vector<2000x64xf32>
    %exp3A = math.exp %min3A_27 : vector<2000x64xf32>
    %sub3A = arith.constant 1.000000e+00 : f32
    %sub3A_28 = vector.broadcast %sub3A : f32 to vector<2000x64xf32>
    %sub3A_29 = arith.subf %exp3A, %sub3A_28 : vector<2000x64xf32>
    %select_n3A = arith.select %gt3A_25, %add3A_23, %sub3A_29 : vector<2000x64xi1>, vector<2000x64xf32>
    %get3A_30 = arith.constant 0 : index
    %get3A_31 = arith.constant 0 : index
    %get3A_32 = vector.load %arg3[%get3A_30, %get3A_31] : memref<64x40xf32, #tpu.memory_space<vmem>>, vector<64x40xf32>
    %dot_general3A_33 = arith.constant dense<0.000000e+00> : vector<2000x40xf32>
    %dot_general3A_34 = tpu.matmul %select_n3A, %get3A_32, %dot_general3A_33 {dimension_numbers = #tpu.dot_dimension_numbers<[1], [0], [0], [1], [0, 0, 1, 1], [], []>, transpose_lhs_hint = false} : vector<2000x64xf32>, vector<64x40xf32>, vector<2000x40xf32> -> vector<2000x40xf32>
    %get3A_35 = arith.constant 0 : index
    %get3A_36 = arith.constant 0 : index
    %get3A_37 = vector.load %arg4[%get3A_35, %get3A_36] : memref<40x8xf32, #tpu.memory_space<vmem>>, vector<40x8xf32>
    %dot_general3A_38 = arith.constant dense<0.000000e+00> : vector<2000x8xf32>
    %dot_general3A_39 = tpu.matmul %dot_general3A_34, %get3A_37, %dot_general3A_38 {dimension_numbers = #tpu.dot_dimension_numbers<[1], [0], [0], [1], [0, 0, 1, 1], [], []>, transpose_lhs_hint = false} : vector<2000x40xf32>, vector<40x8xf32>, vector<2000x8xf32> -> vector<2000x8xf32>
    %broadcast_in_dim3A = arith.constant 0.000000e+00 : f32
    %broadcast_in_dim3A_40 = vector.broadcast %broadcast_in_dim3A : f32 to vector<2000x80xf32>
    %concatenate3A = tpu.concatenate %dot_general3A_34, %dot_general3A_39, %broadcast_in_dim3A_40 in 1 : vector<2000x40xf32>, vector<2000x8xf32>, vector<2000x80xf32> -> vector<2000x128xf32>
    %swap3A = arith.constant 0 : index
    %swap3A_41 = arith.constant 0 : index
    %swap3A_42 = vector.load %arg6[%swap3A, %swap3A_41] : memref<2000x128xf32, #tpu.memory_space<vmem>>, vector<2000x128xf32>
    tpu.vector_store %arg6[%swap3A, %swap3A_41], %concatenate3A {strides = array<i32>} : memref<2000x128xf32, #tpu.memory_space<vmem>>, vector<2000x128xf32>,
    return
  }
  func.func @transform_0(%arg0: i32) -> (i32, i32, i32) {
    %c0_i32 = arith.constant 0 : i32
    %c0_i32_0 = arith.constant 0 : i32
    %c0_i32_1 = arith.constant 0 : i32
    return %c0_i32, %arg0, %c0_i32_0 : i32, i32, i32
  }
  func.func @transform_1(%arg0: i32) -> (i32, i32) {
    %c0_i32 = arith.constant 0 : i32
    %c0_i32_0 = arith.constant 0 : i32
    %c0_i32_1 = arith.constant 0 : i32
    return %c0_i32, %c0_i32_0 : i32, i32
  }
  func.func @transform_2(%arg0: i32) -> (i32, i32) {
    %c0_i32 = arith.constant 0 : i32
    %c0_i32_0 = arith.constant 0 : i32
    %c0_i32_1 = arith.constant 0 : i32
    return %c0_i32, %c0_i32_0 : i32, i32
  }
  func.func @transform_3(%arg0: i32) -> (i32, i32) {
    %c0_i32 = arith.constant 0 : i32
    %c0_i32_0 = arith.constant 0 : i32
    %c0_i32_1 = arith.constant 0 : i32
    return %c0_i32, %c0_i32_0 : i32, i32
  }
  func.func @transform_4(%arg0: i32) -> (i32, i32) {
    %c0_i32 = arith.constant 0 : i32
    %c0_i32_0 = arith.constant 0 : i32
    %c0_i32_1 = arith.constant 0 : i32
    return %c0_i32, %c0_i32_0 : i32, i32
  }
  func.func @transform_5(%arg0: i32) -> (i32, i32) {
    %c0_i32 = arith.constant 0 : i32
    %c0_i32_0 = arith.constant 0 : i32
    return %arg0, %c0_i32 : i32, i32
  }
}

module attributes {stable_mosaic.version = 14 : i64} {
  func.func @_tc4_body(%arg0: i32, %arg1: memref<2x2000x48xf32, #tpu.memory_space<vmem>>, %arg2: memref<1x40xf32, #tpu.memory_space<vmem>>, %arg3: memref<2000x40xf32, #tpu.memory_space<vmem>>) attributes {dimension_semantics = [#tpu.dimension_semantics<arbitrary>], iteration_bounds = array<i64: 5>, scalar_prefetch = 0 : i64, scratch_operands = 0 : i64, tpu.core_type = #tpu.core_type<tc>, window_params = [{transform_indices = @transform_0, window_bounds = array<i64: 2, 2000, 48>}, {pipeline_mode = #tpu.pipeline_mode<synchronous>, transform_indices = @transform_1, window_bounds = array<i64: 1, 40>}, {transform_indices = @transform_2, window_bounds = array<i64: 2000, 40>}]} {
    %get3A = arith.constant 0 : index
    %get3A_0 = arith.constant 0 : index
    %get3A_1 = arith.constant 0 : index
    %get3A_2 = vector.load %arg1[%get3A, %get3A_0, %get3A_1] : memref<2x2000x48xf32, #tpu.memory_space<vmem>>, vector<1x2000x48xf32>
    %get3A_3 = vector.shape_cast %get3A_2 : vector<1x2000x48xf32> to vector<2000x48xf32>
    %get3A_4 = arith.constant 1 : index
    %get3A_5 = arith.constant 0 : index
    %get3A_6 = arith.constant 0 : index
    %get3A_7 = vector.load %arg1[%get3A_4, %get3A_5, %get3A_6] : memref<2x2000x48xf32, #tpu.memory_space<vmem>>, vector<1x2000x48xf32>
    %get3A_8 = vector.shape_cast %get3A_7 : vector<1x2000x48xf32> to vector<2000x48xf32>
    %add3A = arith.addf %get3A_3, %get3A_8 : vector<2000x48xf32>
    %slice3A = vector.extract_strided_slice %add3A {offsets = [0, 0], sizes = [2000, 40], strides = [1, 1]} : vector<2000x48xf32> to vector<2000x40xf32>
    %slice3A_9 = vector.extract_strided_slice %add3A {offsets = [0, 40], sizes = [2000, 1], strides = [1, 1]} : vector<2000x48xf32> to vector<2000x1xf32>
    %add3A_10 = arith.constant 9.99999971E-10 : f32
    %add3A_11 = vector.broadcast %add3A_10 : f32 to vector<2000x1xf32>
    %add3A_12 = arith.addf %slice3A_9, %add3A_11 : vector<2000x1xf32>
    %div3A = vector.broadcast %add3A_12 : vector<2000x1xf32> to vector<2000x40xf32>
    %div3A_13 = arith.divf %slice3A, %div3A : vector<2000x40xf32>
    %get3A_14 = arith.constant 0 : index
    %get3A_15 = arith.constant 0 : index
    %get3A_16 = vector.load %arg2[%get3A_14, %get3A_15] : memref<1x40xf32, #tpu.memory_space<vmem>>, vector<1x40xf32>
    %add3A_17 = vector.broadcast %get3A_16 : vector<1x40xf32> to vector<2000x40xf32>
    %add3A_18 = arith.addf %div3A_13, %add3A_17 : vector<2000x40xf32>
    %swap3A = arith.constant 0 : index
    %swap3A_19 = arith.constant 0 : index
    %swap3A_20 = vector.load %arg3[%swap3A, %swap3A_19] : memref<2000x40xf32, #tpu.memory_space<vmem>>, vector<2000x40xf32>
    tpu.vector_store %arg3[%swap3A, %swap3A_19], %add3A_18 {strides = array<i32>} : memref<2000x40xf32, #tpu.memory_space<vmem>>, vector<2000x40xf32>,
    return
  }
  func.func @transform_0(%arg0: i32) -> (i32, i32, i32) {
    %c0_i32 = arith.constant 0 : i32
    %c0_i32_0 = arith.constant 0 : i32
    %c0_i32_1 = arith.constant 0 : i32
    return %c0_i32, %arg0, %c0_i32_0 : i32, i32, i32
  }
  func.func @transform_1(%arg0: i32) -> (i32, i32) {
    %c0_i32 = arith.constant 0 : i32
    %c0_i32_0 = arith.constant 0 : i32
    %c0_i32_1 = arith.constant 0 : i32
    return %c0_i32, %c0_i32_0 : i32, i32
  }
  func.func @transform_2(%arg0: i32) -> (i32, i32) {
    %c0_i32 = arith.constant 0 : i32
    %c0_i32_0 = arith.constant 0 : i32
    return %arg0, %c0_i32 : i32, i32
  }
}

</mosaic_0001>

<sc_bundles>
// kernel: kernel.10.cloned.1.call-start
scs
__scs_entry_jumppad:
0x0: {  	(pc) =	sbr.rel $0x88, $3  }
0x1: {  	(tag) =	ssettag $0x0;
	lr =	simm.s32 $0x1  }
0x2: {  	[smem:$0x3F97] =	sst lr;
	_ =	strace $0xD0000000  }
0x3: {  	_ = 	snop  }
0x4: {  	_ = 	snop  }
0x5: {  	_ = 	snop  }
0x6: {  	_ = 	snop  }
0x7: {  	_ = 	snop  }
__scs_overlays_trampoline_lowered:
0x8: {  	[smem:$0x3FA6] =	sst s0  }
0x9: {  	[smem:$0x3FA7] =	sst s1  }
0xa: {  	[smem:$0x3FA8] =	sst s2  }
0xb: {  	[smem:$0x3FA9] =	sst s3  }
0xc: {  	[smem:$0x3FAA] =	sst s4  }
0xd: {  	[smem:$0x3FAB] =	sst s5  }
0xe: {  	[smem:$0x3FAC] =	sst s6  }
0xf: {  	[smem:$0x3FAD] =	sst s7  }
0x10: {  	[smem:$0x3FAE] =	sst s8  }
0x11: {  	[smem:$0x3FAF] =	sst s9;
	s0 =	simm.s32 @!p0 $0x0  }
0x12: {  	s1 =	sld [smem:$0x3F95];
	s0 =	simm.s32 @p0 $0x1  }
0x13: {  	[smem:$0x3FB0] =	sst s0;
	s0 =	simm.s32 @!p1 $0x0  }
0x14: {  	s2 =	sld [smem:$0x3F94];
	s0 =	simm.s32 @p1 $0x1  }
0x15: {  	[smem:$0x3FB1] =	sst s0;
	s0 =	simm.s32 @!p2 $0x0  }
0x16: {  	s3 =	sld [smem:$0x3FDB];
	s0 =	simm.s32 @p2 $0x1  }
0x17: {  	s4 =	simm.s32 $0x1BF5;
	[smem:$0x3FB3] =	sst s0  }
0x18: {  	s0 =	sld [smem:$0x3F96];
	_ =	swait.ge [sflag:s4], $0x0  }
0x19: {  	s7 =	sld [smem:$0x3F97]  }
0x1a: {  	s8 =	sadd.s32 $0xFFFFE003, lr  }
0x1b: {  	s9 =	sadd.s32 $0xFFFFFEF7, lr;
	s5 =	simm.s32 $0xFFFFFFFF;
	p2 =	slt.u32 s8, $0xFFFFF086  }
0x1c: {  	p1 =	slt.u32 s9, $0xF7A;
	s5 =	simm.s32 @!p2 $0x0  }
0x1d: {  	s5 =	simm.s32 @p1 $0x1;
	p0 =	seq.s32 s7, s2  }
0x1e: {  	s7 =	smul.u32 @!p0 $0xF7A, s2;
	p2 =	seq.s32 @!p0 s5, $0x0  }
0x1f: {  	s9 =	smul.u32 $0xF7A, s1;
	s8 =	simm.s32 @!p0 $0x1BF5;
	p2 =	por !p2, p0  }
0x20: {  	[sflag:s8] =	ssyncset.s32 @!p0 $0xFFFFF086;
	s6 =	sadd.s32 @!p0 s3, s7;
	s7 =	simm.s32 @!p0 $0x108  }
0x21: {  	s3 =	sadd.s32 s3, s9;
	s6 =	sadd.s32 @!p0 $0x88, s6;
	s7 =	simm.s32 @p2 $0x1082  }
0x22: {  	[simem:s7], [sflag:s8] =	dma.local @!p0 [hbm:s6], $0xF7A  }
0x23: {  	s9 =	sor.u32 $0xD0000000, s2;
	s6 =	simm.s32 $0x108;
	_ =	swait.ge @!p0 [sflag:s8], $0x0  }
0x24: {  	s3 =	sadd.s32 $0x88, s3;
	s6 =	simm.s32 @!p1 $0x1082;
	[sflag:s4] =	ssyncset.s32 $0xFFFFF086  }
0x25: {  	[simem:s6], [sflag:s4] =	dma.local [hbm:s3], $0xF7A  }
0x26: {  	[smem:$0x3F97] =	sst s1;
	(tag) =	ssettag s2;
	_ =	strace s9  }
0x27: {  	s1 =	sld [smem:$0x3FA7]  }
0x28: {  	s2 =	sld [smem:$0x3FA8]  }
0x29: {  	s4 =	sld [smem:$0x3FAA]  }
0x2a: {  	p0 =	seq.s32 s5, $0x0;
	s5 =	sld [smem:$0x3FAB]  }
0x2b: {  	s6 =	sld [smem:$0x3FAC]  }
0x2c: {  	s7 =	sld [smem:$0x3FAD]  }
0x2d: {  	s3 =	simm.s32 $0x108;
	s8 =	sld [smem:$0x3FAE]  }
0x2e: {  	s3 =	simm.s32 @!p0 $0x1082;
	s9 =	sld [smem:$0x3FAF]  }
0x2f: {  	lr =	sadd.s32 s0, s3;
	s0 =	sld [smem:$0x3FA6]  }
0x30: {  	s3 =	sld [smem:$0x3FA9]  }
0x31: {  	[smem:$0x3FB2] =	sst s10  }
0x32: {  	s10 =	sld [smem:$0x3FB0];
	_ =	sdelay $0x3  }
0x33: {  	p0 =	seq.s32 s10, $0x1;
	s10 =	sld [smem:$0x3FB2];
	_ =	sdelay $0x3  }
0x34: {  	[smem:$0x3FB2] =	sst s10  }
0x35: {  	s10 =	sld [smem:$0x3FB1];
	_ =	sdelay $0x3  }
0x36: {  	p1 =	seq.s32 s10, $0x1;
	s10 =	sld [smem:$0x3FB2];
	_ =	sdelay $0x3  }
0x37: {  	[smem:$0x3FB2] =	sst s10  }
0x38: {  	s10 =	sld [smem:$0x3FB3]  }
0x39: {  	_ = 	snop;
	(pc) =	sbr.ind lr, $3  }
0x3a: {  	_ = 	snop  }
0x3b: {  	_ = 	snop  }
0x3c: {  	p2 =	seq.s32 s10, $0x1;
	s10 =	sld [smem:$0x3FB2]  }
0x3d: {  	_ =	shalt  }
0x3e: {  	_ =	shalt  }
0x3f: {  	_ =	shalt  }
0x40: {  	_ =	shalt  }
0x41: {  	_ =	shalt  }
0x42: {  	_ =	shalt  }
0x43: {  	_ =	shalt  }
0x44: {  	_ =	shalt  }
0x45: {  	_ =	shalt  }
0x46: {  	_ =	shalt  }
0x47: {  	_ =	shalt  }
0x48: {  	_ =	shalt  }
0x49: {  	_ =	shalt  }
0x4a: {  	_ =	shalt  }
0x4b: {  	_ =	shalt  }
0x4c: {  	_ =	shalt  }
0x4d: {  	_ =	shalt  }
0x4e: {  	_ =	shalt  }
0x4f: {  	_ =	shalt  }
0x50: {  	_ =	shalt  }
0x51: {  	_ =	shalt  }
0x52: {  	_ =	shalt  }
0x53: {  	_ =	shalt  }
0x54: {  	_ =	shalt  }
0x55: {  	_ =	shalt  }
0x56: {  	_ =	shalt  }
0x57: {  	_ =	shalt  }
0x58: {  	_ =	shalt  }
0x59: {  	_ =	shalt  }
0x5a: {  	_ =	shalt  }
0x5b: {  	_ =	shalt  }
0x5c: {  	_ =	shalt  }
0x5d: {  	_ =	shalt  }
0x5e: {  	_ =	shalt  }
0x5f: {  	_ =	shalt  }
0x60: {  	_ =	shalt  }
0x61: {  	_ =	shalt  }
0x62: {  	_ =	shalt  }
0x63: {  	_ =	shalt  }
0x64: {  	_ =	shalt  }
0x65: {  	_ =	shalt  }
0x66: {  	_ =	shalt  }
0x67: {  	_ =	shalt  }
0x68: {  	_ =	shalt  }
0x69: {  	_ =	shalt  }
0x6a: {  	_ =	shalt  }
0x6b: {  	_ =	shalt  }
0x6c: {  	_ =	shalt  }
0x6d: {  	_ =	shalt  }
0x6e: {  	_ =	shalt  }
0x6f: {  	_ =	shalt  }
0x70: {  	_ =	shalt  }
0x71: {  	_ =	shalt  }
0x72: {  	_ =	shalt  }
0x73: {  	_ =	shalt  }
0x74: {  	_ =	shalt  }
0x75: {  	_ =	shalt  }
0x76: {  	_ =	shalt  }
0x77: {  	_ =	shalt  }
0x78: {  	_ =	shalt  }
0x79: {  	_ =	shalt  }
0x7a: {  	_ =	shalt  }
0x7b: {  	_ =	shalt  }
0x7c: {  	_ =	shalt  }
0x7d: {  	_ =	shalt  }
0x7e: {  	_ =	shalt  }
0x7f: {  	_ =	shalt  }
0x80: {  	_ =	shalt  }
0x81: {  	_ =	shalt  }
0x82: {  	_ =	shalt  }
0x83: {  	_ =	shalt  }
0x84: {  	_ =	shalt  }
0x85: {  	_ =	shalt  }
0x86: {  	_ =	shalt  }
0x87: {  	_ =	shalt  }
.Lfunc_end0:
.L_simem_size_0:
called_computation.1_lowered:
.L_overlay_start_0:
0x88: {  	s2 =	sld [smem:$0x3FD9]  }
0x89: {  	s3 =	sld [smem:$0x3FFE];
	_ =	sdelay $0x1  }
0x8a: {  	s1 =	srdreg.scid  }
0x8b: {  	s0 =	sand.u32 $0x1, s1  }
0x8c: {  	s17 =	sshll.u32 s0, $0xA;
	s2 =	sadd.s32 s3, s2  }
0x8d: {  	s2 =	sadd.s32 s2, s17  }
0x8e: {  	[smem:$0x3FBE] =	sst s2  }
0x8f: {  	_ = 	snop  }
0x90: {  	s2 =	sld [smem:$0x3FD0];
	(tm) =	ssettm $0x1  }
0x91: {  	s18 =	sld [smem:$0x3FFB];
	_ =	sdelay $0x3  }
0x92: {  	_ =	strace s18  }
0x93: {  	s3 =	sld [smem:$0x3FFC];
	_ =	sdelay $0x3  }
0x94: {  	_ =	strace s3  }
0x95: {  	s3 =	sld [smem:$0x3FFD];
	_ =	sdelay $0x3  }
0x96: {  	_ =	strace s3  }
0x97: {  	_ =	strace $0x8FFFFFFF  }
0x98: {  	s19 =	sld [smem:$0x3FDB];
	_ =	sdelay $0x1  }
0x99: {  	s4 =	simm.s32 $_scs_section_size  }
0x9a: {  	s5 =	simm.s32 $_size__tile_overlayer_lowered;
	s6 =	simm.s32 $_tile_overlayer_lowered  }
0x9b: {  	s22 =	simm.s32 $0x1BFF;
	s21 =	sshll.u32 s6, $0x1;
	s3 =	sadd.s32 s4, s19  }
0x9c: {  	s7 =	simm.s32 $0x0;
	s20 =	sshll.u32 s5, $0x1;
	s5 =	sadd.s32 s21, s3  }
0x9d: {  	[timem:s7], [sflag:s22] =	dma.local [hbm:s5], s20  }
0x9e: {  	_ =	swait.ge [sflag:s22], s20  }
0x9f: {  	s4 =	ssub.s32 $0x0, s20;
	[sflag:s22] =	ssyncset.done $0x0  }
0xa0: {  	[sflag:s22] =	ssyncadd.s32 s4;
	_ =	sdelay $0x1  }
0xa1: {  	s23 =	simm.s32 $0x1B8B  }
0xa2: {  	_ =	swait.ge [sflag:s23], $0x1  }
0xa3: {  	[sflag:s23] =	ssyncset.done $0x0  }
0xa4: {  	s25 =	simm.s32 $0x1B8E;
	s24 =	sld [smem:$0x3FFE];
	[sflag:s23] =	ssyncadd.s32 $0xFFFFFFFF  }
0xa5: {  	s26 =	simm.s32 $execute0_lowered;
	[smem:$0x3FD2] =	sst s25  }
0xa6: {  	s5 =	sshll.u32 s26, $0x1;
	_ =	strace $0x80000049;
	[dreg:$0x1] =	wrdreg $0xFFFFFFFF  }
0xa7: {  	s28 =	simm.s32 $_size_execute0_lowered;
	s3 =	sadd.s32 s3, s5;
	[dreg:$0x0] =	wrdreg $0x0  }
0xa8: {  	s5 =	sshll.u32 s28, $0x1;
	[dreg:$0x2] =	wrdreg s3  }
0xa9: {  	[dreg:$0x3] =	wrdreg s5  }
0xaa: {  	[dreg:$0x4] =	wrdreg $0xC0  }
0xab: {  	_ =	task [dreg:s7], $0x5FFFF  }
0xac: {  	[dreg:$0x1] =	wrdreg $0xFFFFFFFF  }
0xad: {  	[dreg:$0x0] =	wrdreg $0x60  }
0xae: {  	[dreg:$0x2] =	wrdreg s24  }
0xaf: {  	[dreg:$0x3] =	wrdreg s2  }
0xb0: {  	[dreg:$0x4] =	wrdreg $0x79000  }
0xb1: {  	[dreg:$0x5] =	wrdreg $0x9  }
0xb2: {  	_ =	task.clear_ibuf [dreg:s7], $0x6FFFF;
	_ =	strace $0x90000049  }
0xb3: {  	s29 =	simm.s32 $0x9;
	_ =	strace $0x8000004B  }
0xb4: {  	_ =	swait.ge [sflag:s29], $0x1  }
0xb5: {  	[sflag:s29] =	ssyncadd.s32 $0xFFFFFFFF  }
0xb6: {  	_ =	strace $0x9000004B  }
0xb7: {  	_ =	sfence  }
0xb8: {  	s30 =	sld [smem:$0x0];
	_ =	sdelay $0x2  }
0xb9: {  	s31 =	sshll.u32 s1, $0xD;
	s1 =	sshrl.u32 s1, $0x2  }
0xba: {  	s3 =	sand.u32 $0x4000, s31;
	s1 =	sadd.s32 s1, s30  }
0xbb: {  	s0 =	sor.u32 s3, s0;
	s1 =	sshll.u32 s1, $0x11  }
0xbc: {  	s0 =	sor.u32 s1, s0  }
0xbd: {  	s0 =	sadd.s32 $0x8F2B, s0  }
0xbe: {  	[sflag:s0] =	ssyncadd.remote.s32 $0x1  }
0xbf: {  	_ =	sfence.sel $0xFFFF  }
0xc0: {  	[dreg:$0x0] =	wrdreg $0xFFFFFFFF;
	(pc) =	sbr.abs _section_cstart, $3  }
0xc1: {  	[dreg:$0x1] =	wrdreg $0xFFFFFFFF  }
0xc2: {  	_ =	task.clear_ibuf [dreg:s7], $0x2FFFF;
	_ =	strace $0x9FFFFFFF  }
0xc3: {  	(tm) =	ssettm $0x7FFFFFFF  }
tec
execute0_lowered:
.L_overlay_start_1:
0x0: {  	(tag) =	ssettag $0x1  }
0x1: {  	s8 =	rddreg [dreg:$0x0]  }
0x2: {  	s2 =	rddreg [dreg:$0x1]  }
0x3: {  	s3 =	rddreg [dreg:$0x2]  }
0x4: {  	s0 =	rddreg [dreg:$0x3]  }
0x5: {  	s5 =	srdreg.scid;
	s1 =	stileid.u32;
	s4 =	simm.s32 $0x0  }
0x6: {  	s15 =	simm.s32 $0x5100;
	s16 =	simm.s32 $0x80;
	s17 =	simm.s32 $0x50  }
0x7: {  	s18 =	simm.s32 $0x100;
	s19 =	simm.s32 $0x2900;
	s20 =	simm.s32 $0x1  }
0x8: {  	s21 =	simm.s32 $0x2;
	s22 =	simm.s32 $0x0;
	s9 =	sand.u32 $0x1, s5  }
0x9: {  	s10 =	smul.u32 $0x14000, s1;
	[smem:$0x7FF] =	sst s4;
	s5 =	sadd.s32 $0xA00, s8  }
0xa: {  	s6 =	sadd.s32 $0xA800, s8;
	s7 =	sadd.s32 $0x32800, s8;
	s13 =	smul.u32 $0x50000, s1  }
0xb: {  	v0 =	vlaneseq.u32;
	s31 =	sshll.u32 s1, $0x6;
	s11 =	smul.u32 $0x140000, s9;
	s12 =	ssub.s32 $0x2, s9  }
0xc: {  	v10 =	vmul.u32 $0x80, v0;
	_ =	strace $0x8000004A;
	s9 =	sshll.u32 s9, $0x4;
	s28 =	sshrl.u32 s12, $0x1  }
0xd: {  	s14 =	sor.u32 s1, s9;
	s29 =	sshrl.u32 s13, $0x2;
	s30 =	sshrl.u32 s10, $0x3  }
0xe: {  	v11 =	vor.u32 $0x10, v0;
	v12 =	vor.u32 $0x20, v0;
	s9 =	sor.u32 $0x1C03, s31;
	v1 =	vor.u32 $0x28, v10;
	s11 =	sadd.s32 s10, s11;
	s12 =	ssub.s32 s12, s28  }
0xf: {  	v2 =	vor.u32 $0x29, v10;
	v3 =	vor.u32 $0x828, v10;
	v4 =	vor.u32 $0x829, v10;
	s13 =	sadd.s32 s29, s3;
	s10 =	smul.u32 $0x2710, s14;
	s11 =	sshrl.u32 s11, $0x3  }
0x10: {  	v5 =	vor.u32 $0x1028, v10;
	v6 =	vor.u32 $0x1029, v10;
	v7 =	vor.u32 $0x1828, v10;
	s14 =	simm.s32 $0x3;
	s12 =	smax.u32 s12, $0x1;
	s11 =	sadd.s32 s11, s8  }
0x11: {  	v8 =	vor.u32 $0x1829, v10;
	v9 =	vor.u32 $0x2028, v10;
	v10 =	vor.u32 $0x2029, v10;
	s13 =	sshrl.u32 s13, $0x3;
	s8 =	sadd.s32 s7, s30;
	s11 =	sadd.s32 $0x5A800, s11  }
.LBB2_1:
0x12: {  	[spmem:s13], [sflag:s9] =	dma.local [hbm:s8], $0x2800  }
0x13: {  	_ =	swait.ge [sflag:s14], $0x2800  }
0x14: {  	[sflag:s14] =	ssyncset.done $0x0  }
0x15: {  	[sflag:s14] =	ssyncadd.s32 $0xFFFFD800  }
0x16: {  	[tilespmem:s15], [sflag:$0x3] =	stream.linear.gather [hbm4b:s7+s4], $0x2800, $0x38;
	[tilespmem:$0xF100] =	vst v63  }
0x17: {  	_ =	swait.ge [sflag:s14], $0x2800  }
0x18: {  	[sflag:s14] =	ssyncset.done $0x0  }
0x19: {  	[sflag:s14] =	ssyncadd.s32 $0xFFFFD800  }
0x1a: {  	s23 =	simm.s32 $0x0;
	[bflag:$0x0] =	sbarrier.arrive $0xFFFF  }
.LBB2_2:
0x1b: {  	s24 =	smul.u32 $0x50, s23;
	_ =	sdelay $0x1  }
0x1c: {  	s24 =	sadd.s32 s10, s24  }
0x1d: {  	s24 =	sshrl.u32 s24, $0x3  }
0x1e: {  	s26 =	simm.s32 $0x0;
	s25 =	sadd.s32 s5, s24  }
0x1f: {  	[tilespmem:s26], [sflag:$0x3] =	stream.linear.gather [hbm4b:s25+s26], $0x50, $0x38;
	[tilespmem:$0xF100] =	vst v63  }
0x20: {  	_ =	swait.ge [sflag:s14], $0x50  }
0x21: {  	[sflag:s14] =	ssyncset.done $0x0  }
0x22: {  	s24 =	sadd.s32 s2, s24;
	[sflag:s14] =	ssyncadd.s32 $0xFFFFFFB0  }
0x23: {  	[tilespmem:s16], [sflag:$0x3] =	stream.linear.gather [hbm4b:s24+s26], $0x50, $0x38;
	[tilespmem:$0xF100] =	vst v63  }
0x24: {  	_ =	swait.ge [sflag:s14], $0x50  }
0x25: {  	[sflag:s14] =	ssyncset.done $0x0  }
0x26: {  	[sflag:s14] =	ssyncadd.s32 $0xFFFFFFB0  }
0x27: {  	[tilespmem:s18], [sflag:$0x1] =	stream.indirect.gather [hbm4b:s6+s17], $0x80, s26, s17, $0xb8;
	[tilespmem:$0xF100] =	vst v63  }
0x28: {  	_ = 	snop  }
0x29: {  	[tilespmem:s19], [sflag:$0x2] =	stream.indirect.gather [hbm4b:s6+s17], $0x80, s16, s17, $0xb8;
	[tilespmem:$0xF100] =	vst v63  }
0x2a: {  	_ =	swait.ge [sflag:s20], $0x2800  }
0x2b: {  	[sflag:s20] =	ssyncset.done $0x0  }
0x2c: {  	[sflag:s20] =	ssyncadd.s32 $0xFFFFD800  }
0x2d: {  	_ =	swait.ge [sflag:s21], $0x2800  }
0x2e: {  	[sflag:s21] =	ssyncset.done $0x0  }
0x2f: {  	[sflag:s21] =	ssyncadd.s32 $0xFFFFD800  }
0x30: {  	v13 =	vld.idx.msk [tilespmem:v1+s18+$0x0], $0xffff  }
0x31: {  	v14 =	vld.idx.msk [tilespmem:v2+s19+$0x0], $0xffff;
	_ =	sdelay $0x4  }
0x32: {  	v13 =	vadd.f32 v14, v13;
	_ =	sdelay $0x1  }
0x33: {  	v14 =	vmul.f32 $2.000000030e-01, v13;
	_ =	sdelay $0x1  }
0x34: {  	v13 =	vmax.f32 v13, v14  }
0x35: {  	v13 =	vmul.f32 $1.442695020e+00, v13;
	_ =	sdelay $0x1  }
0x36: {  	(erf) = vpow2.f32 v13;
	_ =	sdelay $0x8  }
0x37: {  	v13 =	vpop (erf)  }
0x38: {  	[tilespmem:v1+s15+$0x0] =	vst.idx.msk $0xffff, v13  }
0x39: {  	v13 =	vld.idx.msk [tilespmem:v3+s18+$0x0], $0xffff  }
0x3a: {  	v14 =	vld.idx.msk [tilespmem:v4+s19+$0x0], $0xffff;
	_ =	sdelay $0x4  }
0x3b: {  	v13 =	vadd.f32 v14, v13;
	_ =	sdelay $0x1  }
0x3c: {  	v14 =	vmul.f32 $2.000000030e-01, v13;
	_ =	sdelay $0x1  }
0x3d: {  	v13 =	vmax.f32 v13, v14  }
0x3e: {  	v13 =	vmul.f32 $1.442695020e+00, v13;
	_ =	sdelay $0x1  }
0x3f: {  	(erf) = vpow2.f32 v13;
	_ =	sdelay $0x8  }
0x40: {  	v13 =	vpop (erf)  }
0x41: {  	[tilespmem:v3+s15+$0x0] =	vst.idx.msk $0xffff, v13  }
0x42: {  	v13 =	vld.idx.msk [tilespmem:v5+s18+$0x0], $0xffff  }
0x43: {  	v14 =	vld.idx.msk [tilespmem:v6+s19+$0x0], $0xffff;
	_ =	sdelay $0x4  }
0x44: {  	v13 =	vadd.f32 v14, v13;
	_ =	sdelay $0x1  }
0x45: {  	v14 =	vmul.f32 $2.000000030e-01, v13;
	_ =	sdelay $0x1  }
0x46: {  	v13 =	vmax.f32 v13, v14  }
0x47: {  	v13 =	vmul.f32 $1.442695020e+00, v13;
	_ =	sdelay $0x1  }
0x48: {  	(erf) = vpow2.f32 v13;
	_ =	sdelay $0x8  }
0x49: {  	v13 =	vpop (erf)  }
0x4a: {  	[tilespmem:v5+s15+$0x0] =	vst.idx.msk $0xffff, v13  }
0x4b: {  	v13 =	vld.idx.msk [tilespmem:v7+s18+$0x0], $0xffff  }
0x4c: {  	v14 =	vld.idx.msk [tilespmem:v8+s19+$0x0], $0xffff;
	_ =	sdelay $0x4  }
0x4d: {  	v13 =	vadd.f32 v14, v13;
	_ =	sdelay $0x1  }
0x4e: {  	v14 =	vmul.f32 $2.000000030e-01, v13;
	_ =	sdelay $0x1  }
0x4f: {  	v13 =	vmax.f32 v13, v14  }
0x50: {  	v13 =	vmul.f32 $1.442695020e+00, v13;
	_ =	sdelay $0x1  }
0x51: {  	(erf) = vpow2.f32 v13;
	_ =	sdelay $0x8  }
0x52: {  	v13 =	vpop (erf)  }
0x53: {  	[tilespmem:v7+s15+$0x0] =	vst.idx.msk $0xffff, v13  }
0x54: {  	v13 =	vld.idx.msk [tilespmem:v9+s18+$0x0], $0xffff  }
0x55: {  	v14 =	vld.idx.msk [tilespmem:v10+s19+$0x0], $0xffff;
	_ =	sdelay $0x4  }
0x56: {  	v13 =	vadd.f32 v14, v13;
	_ =	sdelay $0x1  }
0x57: {  	v14 =	vmul.f32 $2.000000030e-01, v13;
	_ =	sdelay $0x1  }
0x58: {  	v13 =	vmax.f32 v13, v14  }
0x59: {  	v13 =	vmul.f32 $1.442695020e+00, v13;
	_ =	sdelay $0x1  }
0x5a: {  	(erf) = vpow2.f32 v13;
	_ =	sdelay $0x3  }
0x5b: {  	s31 =	simm.s32 $0x0  }
0x5c: {  	v13 =	vmov s31  }
0x5d: {  	v13 =	vor.u32 $0x28, v13  }
0x5e: {  	v14 =	vor.u32 s31, v0;
	_ =	sdelay $0x1  }
0x5f: {  	v15 =	vpop (erf)  }
0x60: {  	[tilespmem:v9+s15+$0x0] =	vst.idx.msk $0xffff, v15  }
0x61: {  	v16 =	vld.idx.msk [tilespmem:v13+s15+$0x0], $0xffff  }
0x62: {  	v13 =	vld.idx.msk [tilespmem:v14+s18+$0x0], $0xffff;
	_ =	sdelay $0x2  }
0x63: {  	v15 =	vor.u32 s31, v11;
	_ =	sdelay $0x1  }
0x64: {  	v13 =	vmul.f32 v13, v16;
	_ =	sdelay $0x1  }
0x65: {  	[tilespmem:v14+s15+$0x0] =	vst.idx.msk $0xffff, v13  }
0x66: {  	v14 =	vld.idx.msk [tilespmem:v15+s18+$0x0], $0xffff;
	_ =	sdelay $0x2  }
0x67: {  	v13 =	vor.u32 s31, v12;
	_ =	sdelay $0x1  }
0x68: {  	v14 =	vmul.f32 v14, v16;
	_ =	sdelay $0x1  }
0x69: {  	[tilespmem:v15+s15+$0x0] =	vst.idx.msk $0xffff, v14  }
0x6a: {  	v17 =	vld.idx.msk [tilespmem:v13+s18+$0x0], $0xff  }
0x6b: {  	s25 =	simm.s32 $0x80  }
0x6c: {  	v14 =	vmov s25  }
0x6d: {  	v15 =	vor.u32 $0x28, v14  }
0x6e: {  	v14 =	vor.u32 s25, v0  }
0x6f: {  	s24 =	simm.s32 $0x2;
	v16 =	vmul.f32 v17, v16  }
.LBB2_3:
0x70: {  	p0 =	sne.s32 s24, $0x4F;
	s26 =	smov.u32 s24;
	s24 =	sadd.s32 $0x1, s24  }
0x71: {  	[tilespmem:v13+s15+$0x0] =	vst.idx.msk $0xff, v16  }
0x72: {  	v16 =	vld.idx.msk [tilespmem:v15+s15+$0x0], $0xffff  }
0x73: {  	v13 =	vld.idx.msk [tilespmem:v14+s18+$0x0], $0xffff;
	_ =	sdelay $0x2  }
0x74: {  	v15 =	vor.u32 s25, v11;
	_ =	sdelay $0x2  }
0x75: {  	v13 =	vmul.f32 v13, v16;
	_ =	sdelay $0x1  }
0x76: {  	[tilespmem:v14+s15+$0x0] =	vst.idx.msk $0xffff, v13  }
0x77: {  	v14 =	vld.idx.msk [tilespmem:v15+s18+$0x0], $0xffff;
	_ =	sdelay $0x2  }
0x78: {  	v13 =	vor.u32 s25, v12;
	_ =	sdelay $0x2  }
0x79: {  	v14 =	vmul.f32 v14, v16;
	_ =	sdelay $0x1  }
0x7a: {  	[tilespmem:v15+s15+$0x0] =	vst.idx.msk $0xffff, v14  }
0x7b: {  	v17 =	vld.idx.msk [tilespmem:v13+s18+$0x0], $0xff;
	_ =	sdelay $0x1  }
.Ltmp0:
0x7c: {  	s25 =	sshll.u32 s26, $0x7;
	(pc) =	sbr.rel @p0 .LBB2_3-.Ltmp0, $3  }
0x7d: {  	v14 =	vmov s25  }
0x7e: {  	v15 =	vor.u32 $0x28, v14;
	v14 =	vor.u32 s25, v0;
	_ =	sdelay $0x1  }
0x7f: {  	v16 =	vmul.f32 v17, v16  }
0x80: {  	_ =	sdelay $0x3  }
0x81: {  	[tilespmem:v13+s15+$0x0] =	vst.idx.msk $0xff, v16  }
0x82: {  	v13 =	vld.idx.msk [tilespmem:v15+s15+$0x0], $0xffff  }
0x83: {  	v15 =	vld.idx.msk [tilespmem:v14+s18+$0x0], $0xffff;
	_ =	sdelay $0x2  }
0x84: {  	v63 =	vor.u32 s25, v11;
	_ =	sdelay $0x1  }
0x85: {  	v15 =	vmul.f32 v15, v13;
	_ =	sdelay $0x1  }
0x86: {  	[tilespmem:v14+s15+$0x0] =	vst.idx.msk $0xffff, v15  }
0x87: {  	v14 =	vld.idx.msk [tilespmem:v63+s18+$0x0], $0xffff;
	_ =	sdelay $0x2  }
0x88: {  	v15 =	vor.u32 s25, v12;
	_ =	sdelay $0x1  }
0x89: {  	v14 =	vmul.f32 v14, v13;
	_ =	sdelay $0x1  }
0x8a: {  	[tilespmem:v63+s15+$0x0] =	vst.idx.msk $0xffff, v14  }
0x8b: {  	v14 =	vld.idx.msk [tilespmem:v15+s18+$0x0], $0xff;
	_ =	sdelay $0x4  }
0x8c: {  	s23 =	sadd.s32 $0x1, s23;
	v13 =	vmul.f32 v14, v13  }
0x8d: {  	p0 =	sne.s32 s23, $0x7D  }
.Ltmp1:
0x8e: {  	[tilespmem:v15+s15+$0x0] =	vst.idx.msk $0xff, v13;
	(pc) =	sbr.rel @p0 .LBB2_2-.Ltmp1, $4  }
0x8f: {  	[spmem:s3] =	stream.indirect.scatter.add.f32 [tilespmem:s15], [sflag:$0x3], $0x30, s16, s17, $0xb8;
	[tilespmem:$0xF100] =	vst v63  }
0x90: {  	_ =	swait.ge [sflag:s14], $0xF00  }
0x91: {  	[sflag:s14] =	ssyncset.done $0x0  }
0x92: {  	[sflag:s14] =	ssyncadd.s32 $0xFFFFF100  }
0x93: {  	s22 =	sadd.s32 $0x1, s22  }
0x94: {  	p0 =	sne.s32 s22, s12  }
.Ltmp2:
0x95: {  	[bflag:$0x0] =	sbarrier.arrive $0xFFFF;
	(pc) =	sbr.rel @p0 .LBB2_1-.Ltmp2, $4  }
0x96: {  	[hbm:s11], [sflag:s9] =	dma.local [spmem:s13], $0x2800  }
0x97: {  	_ =	swait.ge [sflag:s14], $0x2800  }
0x98: {  	[sflag:s14] =	ssyncset.done $0x0  }
0x99: {  	[sflag:s14] =	ssyncadd.s32 $0xFFFFD800  }
0x9a: {  	_ =	sfence.sel $0x180000  }
0x9b: {  	[bflag:$0x0] =	sbarrier.arrive $0xFFFF  }
0x9c: {  	p0 =	sne.s32 s1, $0x0;
	_ =	strace $0x9000004A  }
0x9d: {  	s0 =	sadd.s32 @!p0 $0x100000, s0;
	[bflag:$0x2] =	sbarrier.arrive $0xFFFF  }
0x9e: {  	[sflag:s0] =	ssyncadd.tile.s32 @!p0 $0x1;
	_ =	shalt  }
.Lfunc_end2:
_tile_overlayer_lowered:
.L_overlay_start_2:
0x9f: {  	(tag) =	ssettag $0x2  }
0xa0: {  	s0 =	rddreg [dreg:$0x0];
	s2 =	stileid.u32  }
0xa1: {  	s1 =	rddreg [dreg:$0x1];
	p0 =	sne.s32 s2, $0x0  }
0xa2: {  	s3 =	rddreg [dreg:$0x2];
	[bflag:$0x3] =	sbarrier.arrive $0xFFFF;
	s2 =	simm.s32 @!p0 $0x1C03  }
0xa3: {  	[timem:s3], [sflag:s2] =	dma.local @!p0 [hbm:s0], s1  }
0xa4: {  	s0 =	simm.s32 @!p0 $0x3  }
0xa5: {  	_ =	swait.ge @!p0 [sflag:s0], s1  }
0xa6: {  	s1 =	ssub.s32 @!p0 $0x0, s1;
	[sflag:s0] =	ssyncset.done @!p0 $0x0  }
0xa7: {  	[sflag:s0] =	ssyncadd.s32 @!p0 s1  }
0xa8: {  	[bflag:$0x3] =	sbarrier.arrive $0xFFFF  }
0xa9: {  	_ =	shalt  }

// kernel: kernel.7.cloned.1.call-start
scs
__scs_entry_jumppad:
0x0: {  	(pc) =	sbr.rel $0x88, $3  }
0x1: {  	(tag) =	ssettag $0x0;
	lr =	simm.s32 $0x1  }
0x2: {  	[smem:$0x3F97] =	sst lr;
	_ =	strace $0xD0000000  }
0x3: {  	_ = 	snop  }
0x4: {  	_ = 	snop  }
0x5: {  	_ = 	snop  }
0x6: {  	_ = 	snop  }
0x7: {  	_ = 	snop  }
__scs_overlays_trampoline_lowered:
0x8: {  	[smem:$0x3FA6] =	sst s0  }
0x9: {  	[smem:$0x3FA7] =	sst s1  }
0xa: {  	[smem:$0x3FA8] =	sst s2  }
0xb: {  	[smem:$0x3FA9] =	sst s3  }
0xc: {  	[smem:$0x3FAA] =	sst s4  }
0xd: {  	[smem:$0x3FAB] =	sst s5  }
0xe: {  	[smem:$0x3FAC] =	sst s6  }
0xf: {  	[smem:$0x3FAD] =	sst s7  }
0x10: {  	[smem:$0x3FAE] =	sst s8  }
0x11: {  	[smem:$0x3FAF] =	sst s9;
	s0 =	simm.s32 @!p0 $0x0  }
0x12: {  	s1 =	sld [smem:$0x3F95];
	s0 =	simm.s32 @p0 $0x1  }
0x13: {  	[smem:$0x3FB0] =	sst s0;
	s0 =	simm.s32 @!p1 $0x0  }
0x14: {  	s2 =	sld [smem:$0x3F94];
	s0 =	simm.s32 @p1 $0x1  }
0x15: {  	[smem:$0x3FB1] =	sst s0;
	s0 =	simm.s32 @!p2 $0x0  }
0x16: {  	s3 =	sld [smem:$0x3FDB];
	s0 =	simm.s32 @p2 $0x1  }
0x17: {  	s4 =	simm.s32 $0x1BF5;
	[smem:$0x3FB3] =	sst s0  }
0x18: {  	s0 =	sld [smem:$0x3F96];
	_ =	swait.ge [sflag:s4], $0x0  }
0x19: {  	s7 =	sld [smem:$0x3F97]  }
0x1a: {  	s8 =	sadd.s32 $0xFFFFE003, lr  }
0x1b: {  	s9 =	sadd.s32 $0xFFFFFEF7, lr;
	s5 =	simm.s32 $0xFFFFFFFF;
	p2 =	slt.u32 s8, $0xFFFFF086  }
0x1c: {  	p1 =	slt.u32 s9, $0xF7A;
	s5 =	simm.s32 @!p2 $0x0  }
0x1d: {  	s5 =	simm.s32 @p1 $0x1;
	p0 =	seq.s32 s7, s2  }
0x1e: {  	s7 =	smul.u32 @!p0 $0xF7A, s2;
	p2 =	seq.s32 @!p0 s5, $0x0  }
0x1f: {  	s9 =	smul.u32 $0xF7A, s1;
	s8 =	simm.s32 @!p0 $0x1BF5;
	p2 =	por !p2, p0  }
0x20: {  	[sflag:s8] =	ssyncset.s32 @!p0 $0xFFFFF086;
	s6 =	sadd.s32 @!p0 s3, s7;
	s7 =	simm.s32 @!p0 $0x108  }
0x21: {  	s3 =	sadd.s32 s3, s9;
	s6 =	sadd.s32 @!p0 $0x88, s6;
	s7 =	simm.s32 @p2 $0x1082  }
0x22: {  	[simem:s7], [sflag:s8] =	dma.local @!p0 [hbm:s6], $0xF7A  }
0x23: {  	s9 =	sor.u32 $0xD0000000, s2;
	s6 =	simm.s32 $0x108;
	_ =	swait.ge @!p0 [sflag:s8], $0x0  }
0x24: {  	s3 =	sadd.s32 $0x88, s3;
	s6 =	simm.s32 @!p1 $0x1082;
	[sflag:s4] =	ssyncset.s32 $0xFFFFF086  }
0x25: {  	[simem:s6], [sflag:s4] =	dma.local [hbm:s3], $0xF7A  }
0x26: {  	[smem:$0x3F97] =	sst s1;
	(tag) =	ssettag s2;
	_ =	strace s9  }
0x27: {  	s1 =	sld [smem:$0x3FA7]  }
0x28: {  	s2 =	sld [smem:$0x3FA8]  }
0x29: {  	s4 =	sld [smem:$0x3FAA]  }
0x2a: {  	p0 =	seq.s32 s5, $0x0;
	s5 =	sld [smem:$0x3FAB]  }
0x2b: {  	s6 =	sld [smem:$0x3FAC]  }
0x2c: {  	s7 =	sld [smem:$0x3FAD]  }
0x2d: {  	s3 =	simm.s32 $0x108;
	s8 =	sld [smem:$0x3FAE]  }
0x2e: {  	s3 =	simm.s32 @!p0 $0x1082;
	s9 =	sld [smem:$0x3FAF]  }
0x2f: {  	lr =	sadd.s32 s0, s3;
	s0 =	sld [smem:$0x3FA6]  }
0x30: {  	s3 =	sld [smem:$0x3FA9]  }
0x31: {  	[smem:$0x3FB2] =	sst s10  }
0x32: {  	s10 =	sld [smem:$0x3FB0];
	_ =	sdelay $0x3  }
0x33: {  	p0 =	seq.s32 s10, $0x1;
	s10 =	sld [smem:$0x3FB2];
	_ =	sdelay $0x3  }
0x34: {  	[smem:$0x3FB2] =	sst s10  }
0x35: {  	s10 =	sld [smem:$0x3FB1];
	_ =	sdelay $0x3  }
0x36: {  	p1 =	seq.s32 s10, $0x1;
	s10 =	sld [smem:$0x3FB2];
	_ =	sdelay $0x3  }
0x37: {  	[smem:$0x3FB2] =	sst s10  }
0x38: {  	s10 =	sld [smem:$0x3FB3]  }
0x39: {  	_ = 	snop;
	(pc) =	sbr.ind lr, $3  }
0x3a: {  	_ = 	snop  }
0x3b: {  	_ = 	snop  }
0x3c: {  	p2 =	seq.s32 s10, $0x1;
	s10 =	sld [smem:$0x3FB2]  }
0x3d: {  	_ =	shalt  }
0x3e: {  	_ =	shalt  }
0x3f: {  	_ =	shalt  }
0x40: {  	_ =	shalt  }
0x41: {  	_ =	shalt  }
0x42: {  	_ =	shalt  }
0x43: {  	_ =	shalt  }
0x44: {  	_ =	shalt  }
0x45: {  	_ =	shalt  }
0x46: {  	_ =	shalt  }
0x47: {  	_ =	shalt  }
0x48: {  	_ =	shalt  }
0x49: {  	_ =	shalt  }
0x4a: {  	_ =	shalt  }
0x4b: {  	_ =	shalt  }
0x4c: {  	_ =	shalt  }
0x4d: {  	_ =	shalt  }
0x4e: {  	_ =	shalt  }
0x4f: {  	_ =	shalt  }
0x50: {  	_ =	shalt  }
0x51: {  	_ =	shalt  }
0x52: {  	_ =	shalt  }
0x53: {  	_ =	shalt  }
0x54: {  	_ =	shalt  }
0x55: {  	_ =	shalt  }
0x56: {  	_ =	shalt  }
0x57: {  	_ =	shalt  }
0x58: {  	_ =	shalt  }
0x59: {  	_ =	shalt  }
0x5a: {  	_ =	shalt  }
0x5b: {  	_ =	shalt  }
0x5c: {  	_ =	shalt  }
0x5d: {  	_ =	shalt  }
0x5e: {  	_ =	shalt  }
0x5f: {  	_ =	shalt  }
0x60: {  	_ =	shalt  }
0x61: {  	_ =	shalt  }
0x62: {  	_ =	shalt  }
0x63: {  	_ =	shalt  }
0x64: {  	_ =	shalt  }
0x65: {  	_ =	shalt  }
0x66: {  	_ =	shalt  }
0x67: {  	_ =	shalt  }
0x68: {  	_ =	shalt  }
0x69: {  	_ =	shalt  }
0x6a: {  	_ =	shalt  }
0x6b: {  	_ =	shalt  }
0x6c: {  	_ =	shalt  }
0x6d: {  	_ =	shalt  }
0x6e: {  	_ =	shalt  }
0x6f: {  	_ =	shalt  }
0x70: {  	_ =	shalt  }
0x71: {  	_ =	shalt  }
0x72: {  	_ =	shalt  }
0x73: {  	_ =	shalt  }
0x74: {  	_ =	shalt  }
0x75: {  	_ =	shalt  }
0x76: {  	_ =	shalt  }
0x77: {  	_ =	shalt  }
0x78: {  	_ =	shalt  }
0x79: {  	_ =	shalt  }
0x7a: {  	_ =	shalt  }
0x7b: {  	_ =	shalt  }
0x7c: {  	_ =	shalt  }
0x7d: {  	_ =	shalt  }
0x7e: {  	_ =	shalt  }
0x7f: {  	_ =	shalt  }
0x80: {  	_ =	shalt  }
0x81: {  	_ =	shalt  }
0x82: {  	_ =	shalt  }
0x83: {  	_ =	shalt  }
0x84: {  	_ =	shalt  }
0x85: {  	_ =	shalt  }
0x86: {  	_ =	shalt  }
0x87: {  	_ =	shalt  }
.Lfunc_end0:
.L_simem_size_0:
called_computation_lowered:
.L_overlay_start_0:
0x88: {  	s2 =	sld [smem:$0x3FD9]  }
0x89: {  	s3 =	sld [smem:$0x3FFE];
	_ =	sdelay $0x1  }
0x8a: {  	s1 =	srdreg.scid  }
0x8b: {  	s0 =	sand.u32 $0x1, s1  }
0x8c: {  	s17 =	sshll.u32 s0, $0xA;
	s2 =	sadd.s32 s3, s2  }
0x8d: {  	s2 =	sadd.s32 s2, s17  }
0x8e: {  	[smem:$0x3FBE] =	sst s2  }
0x8f: {  	_ = 	snop  }
0x90: {  	s2 =	sld [smem:$0x3FD0];
	(tm) =	ssettm $0x1  }
0x91: {  	s18 =	sld [smem:$0x3FFB];
	_ =	sdelay $0x3  }
0x92: {  	_ =	strace s18  }
0x93: {  	s3 =	sld [smem:$0x3FFC];
	_ =	sdelay $0x3  }
0x94: {  	_ =	strace s3  }
0x95: {  	s3 =	sld [smem:$0x3FFD];
	_ =	sdelay $0x3  }
0x96: {  	_ =	strace s3  }
0x97: {  	_ =	strace $0x8FFFFFFF  }
0x98: {  	s19 =	sld [smem:$0x3FDB];
	_ =	sdelay $0x1  }
0x99: {  	s4 =	simm.s32 $_scs_section_size  }
0x9a: {  	s5 =	simm.s32 $_size__tile_overlayer_lowered;
	s6 =	simm.s32 $_tile_overlayer_lowered  }
0x9b: {  	s22 =	simm.s32 $0x1BFF;
	s21 =	sshll.u32 s6, $0x1;
	s3 =	sadd.s32 s4, s19  }
0x9c: {  	s7 =	simm.s32 $0x0;
	s20 =	sshll.u32 s5, $0x1;
	s5 =	sadd.s32 s21, s3  }
0x9d: {  	[timem:s7], [sflag:s22] =	dma.local [hbm:s5], s20  }
0x9e: {  	_ =	swait.ge [sflag:s22], s20  }
0x9f: {  	s4 =	ssub.s32 $0x0, s20;
	[sflag:s22] =	ssyncset.done $0x0  }
0xa0: {  	[sflag:s22] =	ssyncadd.s32 s4;
	_ =	sdelay $0x1  }
0xa1: {  	s23 =	simm.s32 $0x1B8B  }
0xa2: {  	_ =	swait.ge [sflag:s23], $0x1  }
0xa3: {  	[sflag:s23] =	ssyncset.done $0x0  }
0xa4: {  	s25 =	simm.s32 $0x1B8E;
	s24 =	sld [smem:$0x3FFE];
	[sflag:s23] =	ssyncadd.s32 $0xFFFFFFFF  }
0xa5: {  	s26 =	simm.s32 $execute0_lowered;
	[smem:$0x3FD2] =	sst s25  }
0xa6: {  	s5 =	sshll.u32 s26, $0x1;
	_ =	strace $0x80000046;
	[dreg:$0x1] =	wrdreg $0xFFFFFFFF  }
0xa7: {  	s28 =	simm.s32 $_size_execute0_lowered;
	s3 =	sadd.s32 s3, s5;
	[dreg:$0x0] =	wrdreg $0x0  }
0xa8: {  	s5 =	sshll.u32 s28, $0x1;
	[dreg:$0x2] =	wrdreg s3  }
0xa9: {  	[dreg:$0x3] =	wrdreg s5  }
0xaa: {  	[dreg:$0x4] =	wrdreg $0xC0  }
0xab: {  	_ =	task [dreg:s7], $0x5FFFF  }
0xac: {  	[dreg:$0x1] =	wrdreg $0xFFFFFFFF  }
0xad: {  	[dreg:$0x0] =	wrdreg $0x60  }
0xae: {  	[dreg:$0x2] =	wrdreg s24  }
0xaf: {  	[dreg:$0x3] =	wrdreg s2  }
0xb0: {  	[dreg:$0x4] =	wrdreg $0x79000  }
0xb1: {  	[dreg:$0x5] =	wrdreg $0x9  }
0xb2: {  	_ =	task.clear_ibuf [dreg:s7], $0x6FFFF;
	_ =	strace $0x90000046  }
0xb3: {  	s29 =	simm.s32 $0x9;
	_ =	strace $0x80000048  }
0xb4: {  	_ =	swait.ge [sflag:s29], $0x1  }
0xb5: {  	[sflag:s29] =	ssyncadd.s32 $0xFFFFFFFF  }
0xb6: {  	_ =	strace $0x90000048  }
0xb7: {  	_ =	sfence  }
0xb8: {  	s30 =	sld [smem:$0x0];
	_ =	sdelay $0x2  }
0xb9: {  	s31 =	sshll.u32 s1, $0xD;
	s1 =	sshrl.u32 s1, $0x2  }
0xba: {  	s3 =	sand.u32 $0x4000, s31;
	s1 =	sadd.s32 s1, s30  }
0xbb: {  	s0 =	sor.u32 s3, s0;
	s1 =	sshll.u32 s1, $0x11  }
0xbc: {  	s0 =	sor.u32 s1, s0  }
0xbd: {  	s0 =	sadd.s32 $0x8F2B, s0  }
0xbe: {  	[sflag:s0] =	ssyncadd.remote.s32 $0x1  }
0xbf: {  	_ =	sfence.sel $0xFFFF  }
0xc0: {  	[dreg:$0x0] =	wrdreg $0xFFFFFFFF;
	(pc) =	sbr.abs _section_cstart, $3  }
0xc1: {  	[dreg:$0x1] =	wrdreg $0xFFFFFFFF  }
0xc2: {  	_ =	task.clear_ibuf [dreg:s7], $0x2FFFF;
	_ =	strace $0x9FFFFFFF  }
0xc3: {  	(tm) =	ssettm $0x7FFFFFFF  }
tec
execute0_lowered:
.L_overlay_start_1:
0x0: {  	(tag) =	ssettag $0x1  }
0x1: {  	s7 =	rddreg [dreg:$0x0]  }
0x2: {  	s2 =	rddreg [dreg:$0x1]  }
0x3: {  	s3 =	rddreg [dreg:$0x2]  }
0x4: {  	s0 =	rddreg [dreg:$0x3];
	s4 =	simm.s32 $0x0;
	s1 =	stileid.u32  }
0x5: {  	s5 =	srdreg.scid;
	s15 =	simm.s32 $0x50;
	s16 =	simm.s32 $0x100  }
0x6: {  	s17 =	simm.s32 $0x2900;
	s18 =	simm.s32 $0x1;
	s19 =	simm.s32 $0x2  }
0x7: {  	s20 =	simm.s32 $0x5100;
	[smem:$0x7FF] =	sst s4;
	s8 =	smul.u32 $0x14000, s1  }
0x8: {  	s9 =	sand.u32 $0x1, s5;
	s5 =	sadd.s32 $0xA00, s7;
	s6 =	sadd.s32 $0xA800, s7  }
0x9: {  	s13 =	smul.u32 $0x50000, s1;
	s31 =	sshll.u32 s1, $0x6;
	_ =	strace $0x80000047  }
0xa: {  	s10 =	smul.u32 $0x140000, s9;
	s28 =	ssub.s32 $0x2, s9;
	s29 =	sshll.u32 s9, $0x4  }
0xb: {  	s11 =	sshrl.u32 s8, $0x3;
	s12 =	sshrl.u32 s28, $0x1;
	s9 =	sor.u32 s1, s29  }
0xc: {  	v0 =	vlaneseq.u32;
	s30 =	sshrl.u32 s13, $0x2;
	s11 =	sadd.s32 s11, s7;
	s8 =	sadd.s32 s8, s10  }
0xd: {  	v9 =	vshrl.u32 v0, $0x3;
	v2 =	vand.u32 $0x7, v0;
	v3 =	vor.u32 $0x48, v0;
	s12 =	ssub.s32 s28, s12;
	s13 =	sadd.s32 s30, s3;
	s8 =	sshrl.u32 s8, $0x3  }
0xe: {  	v6 =	vor.u32 $0x10, v0;
	v8 =	vor.u32 $0x20, v0;
	v10 =	vor.u32 $0x30, v0;
	s9 =	smul.u32 $0x2710, s9;
	s14 =	sadd.s32 s8, s7;
	s7 =	sadd.s32 $0x32800, s11  }
0xf: {  	v1 =	vmul.u32 $0x80, v9;
	v2 =	vor.u32 $0x40, v2;
	v4 =	vor.u32 $0x40, v9;
	s8 =	sor.u32 $0x1C03, s31;
	s11 =	smax.u32 s12, $0x1;
	s12 =	sshrl.u32 s13, $0x3  }
0x10: {  	v5 =	vor.u32 $0x42, v9;
	v7 =	vor.u32 $0x44, v9;
	v9 =	vor.u32 $0x46, v9;
	s13 =	simm.s32 $0x3;
	s10 =	sadd.s32 $0x5A800, s14;
	s14 =	simm.s32 $0x80  }
.LBB2_1:
0x11: {  	[spmem:s12], [sflag:s8] =	dma.local [hbm:s7], $0x2800  }
0x12: {  	_ =	swait.ge [sflag:s13], $0x2800  }
0x13: {  	[sflag:s13] =	ssyncset.done $0x0  }
0x14: {  	[sflag:s13] =	ssyncadd.s32 $0xFFFFD800  }
0x15: {  	s21 =	simm.s32 $0x0;
	[bflag:$0x0] =	sbarrier.arrive $0xFFFF  }
.LBB2_2:
0x16: {  	s22 =	smul.u32 $0x50, s21;
	_ =	sdelay $0x1  }
0x17: {  	s22 =	sadd.s32 s9, s22  }
0x18: {  	s22 =	sshrl.u32 s22, $0x3  }
0x19: {  	s24 =	simm.s32 $0x0;
	s23 =	sadd.s32 s5, s22  }
0x1a: {  	[tilespmem:s24], [sflag:$0x3] =	stream.linear.gather [hbm4b:s23+s24], $0x50, $0x38;
	[tilespmem:$0x12D00] =	vst v63  }
0x1b: {  	_ =	swait.ge [sflag:s13], $0x50  }
0x1c: {  	[sflag:s13] =	ssyncset.done $0x0  }
0x1d: {  	s22 =	sadd.s32 s2, s22;
	[sflag:s13] =	ssyncadd.s32 $0xFFFFFFB0  }
0x1e: {  	[tilespmem:s14], [sflag:$0x3] =	stream.linear.gather [hbm4b:s22+s24], $0x50, $0x38;
	[tilespmem:$0x12D00] =	vst v63  }
0x1f: {  	_ =	swait.ge [sflag:s13], $0x50  }
0x20: {  	[sflag:s13] =	ssyncset.done $0x0  }
0x21: {  	[sflag:s13] =	ssyncadd.s32 $0xFFFFFFB0  }
0x22: {  	[tilespmem:s16], [sflag:$0x1] =	stream.indirect.gather [hbm4b:s6+s15], $0x80, s24, s15, $0xb8;
	[tilespmem:$0x12D00] =	vst v63  }
0x23: {  	v11 =	vmov s24  }
0x24: {  	v11 =	vshll.u32 v11, $0x7;
	[tilespmem:s17], [sflag:$0x2] =	stream.indirect.gather [hbm4b:s6+s15], $0x80, s14, s15, $0xb8;
	[tilespmem:$0x12D00] =	vst v63  }
0x25: {  	v11 =	vor.u32 v1, v11;
	_ =	swait.ge [sflag:s18], $0x2800  }
0x26: {  	v12 =	vor.u32 v3, v11;
	[sflag:s18] =	ssyncset.done $0x0  }
0x27: {  	v11 =	vor.u32 v2, v11;
	[sflag:s18] =	ssyncadd.s32 $0xFFFFD800  }
0x28: {  	_ =	swait.ge [sflag:s19], $0x2800  }
0x29: {  	[sflag:s19] =	ssyncset.done $0x0  }
0x2a: {  	[sflag:s19] =	ssyncadd.s32 $0xFFFFD800  }
0x2b: {  	v12 =	vld.idx.msk [tilespmem:v12+s17+$0x0], $0xffff  }
0x2c: {  	v13 =	vld.idx.msk [tilespmem:v11+s16+$0x0], $0xffff;
	_ =	sdelay $0x4  }
0x2d: {  	v12 =	vadd.f32 v12, v13;
	_ =	sdelay $0x1  }
0x2e: {  	v13 =	vmul.f32 $2.000000030e-01, v12;
	_ =	sdelay $0x1  }
0x2f: {  	v12 =	vmax.f32 v12, v13  }
0x30: {  	v12 =	vmul.f32 $1.442695020e+00, v12;
	_ =	sdelay $0x1  }
0x31: {  	(erf) = vpow2.f32 v12;
	_ =	sdelay $0x1  }
0x32: {  	s31 =	simm.s32 $0x2  }
0x33: {  	v13 =	vmov s31  }
0x34: {  	s22 =	simm.s32 $0x4;
	v12 =	vshll.u32 v13, $0x7  }
.LBB2_3:
0x35: {  	p0 =	sne.s32 s22, $0x4E;
	v12 =	vor.u32 v1, v12  }
0x36: {  	v13 =	vor.u32 v3, v12  }
0x37: {  	v12 =	vor.u32 v2, v12;
	_ =	sdelay $0x1  }
0x38: {  	v14 =	vpop (erf)  }
0x39: {  	[tilespmem:v11+s20+$0x0] =	vst.idx.msk $0xffff, v14;
	v11 =	vmov v12  }
0x3a: {  	v13 =	vld.idx.msk [tilespmem:v13+s17+$0x0], $0xffff  }
0x3b: {  	v12 =	vld.idx.msk [tilespmem:v12+s16+$0x0], $0xffff;
	_ =	sdelay $0x5  }
0x3c: {  	v12 =	vadd.f32 v13, v12;
	_ =	sdelay $0x1  }
0x3d: {  	v13 =	vmul.f32 $2.000000030e-01, v12;
	_ =	sdelay $0x1  }
0x3e: {  	v12 =	vmax.f32 v12, v13  }
0x3f: {  	v12 =	vmul.f32 $1.442695020e+00, v12;
	_ =	sdelay $0x1  }
.Ltmp0:
0x40: {  	(erf) = vpow2.f32 v12;
	(pc) =	sbr.rel @p0 .LBB2_3-.Ltmp0, $3  }
0x41: {  	_ =	sdelay $0x1  }
0x42: {  	v12 =	vmov s22  }
0x43: {  	s22 =	sadd.s32 $0x2, s22;
	v12 =	vshll.u32 v12, $0x7  }
0x44: {  	v12 =	vor.u32 v1, v12  }
0x45: {  	v13 =	vor.u32 v3, v12  }
0x46: {  	v12 =	vor.u32 v2, v12;
	_ =	sdelay $0x1  }
0x47: {  	v14 =	vpop (erf)  }
0x48: {  	[tilespmem:v11+s20+$0x0] =	vst.idx.msk $0xffff, v14  }
0x49: {  	v11 =	vld.idx.msk [tilespmem:v13+s17+$0x0], $0xffff  }
0x4a: {  	v13 =	vld.idx.msk [tilespmem:v12+s16+$0x0], $0xffff;
	_ =	sdelay $0x4  }
0x4b: {  	v11 =	vadd.f32 v11, v13;
	_ =	sdelay $0x1  }
0x4c: {  	v13 =	vmul.f32 $2.000000030e-01, v11;
	_ =	sdelay $0x1  }
0x4d: {  	v11 =	vmax.f32 v11, v13  }
0x4e: {  	v11 =	vmul.f32 $1.442695020e+00, v11;
	_ =	sdelay $0x1  }
0x4f: {  	(erf) = vpow2.f32 v11;
	_ =	sdelay $0x4  }
0x50: {  	s22 =	simm.s32 $0x0  }
0x51: {  	v11 =	vor.u32 s22, v4  }
0x52: {  	v13 =	vor.u32 s22, v0;
	_ =	sdelay $0x1  }
0x53: {  	v14 =	vpop (erf)  }
0x54: {  	[tilespmem:v12+s20+$0x0] =	vst.idx.msk $0xffff, v14  }
0x55: {  	v11 =	vld.idx.msk [tilespmem:v11+s20+$0x0], $0xffff  }
0x56: {  	v12 =	vld.idx.msk [tilespmem:v13+s16+$0x0], $0xffff;
	_ =	sdelay $0x2  }
0x57: {  	v14 =	vor.u32 s22, v5  }
0x58: {  	v15 =	vor.u32 s22, v6  }
0x59: {  	v11 =	vmul.f32 v12, v11;
	_ =	sdelay $0x1  }
0x5a: {  	[tilespmem:v13+s20+$0x0] =	vst.idx.msk $0xffff, v11  }
0x5b: {  	v11 =	vld.idx.msk [tilespmem:v14+s20+$0x0], $0xffff  }
0x5c: {  	v12 =	vld.idx.msk [tilespmem:v15+s16+$0x0], $0xffff;
	_ =	sdelay $0x2  }
0x5d: {  	v13 =	vor.u32 s22, v7  }
0x5e: {  	v14 =	vor.u32 s22, v8  }
0x5f: {  	v11 =	vmul.f32 v12, v11;
	_ =	sdelay $0x1  }
0x60: {  	[tilespmem:v15+s20+$0x0] =	vst.idx.msk $0xffff, v11  }
0x61: {  	v12 =	vld.idx.msk [tilespmem:v13+s20+$0x0], $0xffff  }
0x62: {  	v13 =	vld.idx.msk [tilespmem:v14+s16+$0x0], $0xffff;
	_ =	sdelay $0x2  }
0x63: {  	v15 =	vor.u32 s22, v9  }
0x64: {  	v11 =	vor.u32 s22, v10  }
0x65: {  	v12 =	vmul.f32 v13, v12;
	_ =	sdelay $0x1  }
0x66: {  	[tilespmem:v14+s20+$0x0] =	vst.idx.msk $0xffff, v12  }
0x67: {  	v12 =	vld.idx.msk [tilespmem:v15+s20+$0x0], $0xffff  }
0x68: {  	v13 =	vld.idx.msk [tilespmem:v11+s16+$0x0], $0xffff;
	_ =	sdelay $0x1  }
0x69: {  	s23 =	simm.s32 $0x2;
	s22 =	simm.s32 $0x80  }
.LBB2_5:
0x6a: {  	p0 =	sne.s32 s23, $0x4F;
	v14 =	vor.u32 s22, v4;
	v15 =	vor.u32 s22, v0;
	s24 =	smov.u32 s23;
	s23 =	sadd.s32 $0x1, s23  }
0x6b: {  	_ = 	snop  }
0x6c: {  	v12 =	vmul.f32 v13, v12;
	_ =	sdelay $0x1  }
0x6d: {  	[tilespmem:v11+s20+$0x0] =	vst.idx.msk $0xffff, v12  }
0x6e: {  	v11 =	vld.idx.msk [tilespmem:v14+s20+$0x0], $0xffff  }
0x6f: {  	v12 =	vld.idx.msk [tilespmem:v15+s16+$0x0], $0xffff;
	_ =	sdelay $0x3  }
0x70: {  	v13 =	vor.u32 s22, v5;
	v14 =	vor.u32 s22, v6;
	_ =	sdelay $0x1  }
0x71: {  	v11 =	vmul.f32 v12, v11;
	_ =	sdelay $0x1  }
0x72: {  	[tilespmem:v15+s20+$0x0] =	vst.idx.msk $0xffff, v11  }
0x73: {  	v11 =	vld.idx.msk [tilespmem:v13+s20+$0x0], $0xffff  }
0x74: {  	v12 =	vld.idx.msk [tilespmem:v14+s16+$0x0], $0xffff;
	_ =	sdelay $0x3  }
0x75: {  	v15 =	vor.u32 s22, v8;
	v13 =	vor.u32 s22, v7;
	_ =	sdelay $0x1  }
0x76: {  	v11 =	vmul.f32 v12, v11;
	_ =	sdelay $0x1  }
0x77: {  	[tilespmem:v14+s20+$0x0] =	vst.idx.msk $0xffff, v11  }
0x78: {  	v12 =	vld.idx.msk [tilespmem:v13+s20+$0x0], $0xffff  }
0x79: {  	v13 =	vld.idx.msk [tilespmem:v15+s16+$0x0], $0xffff;
	_ =	sdelay $0x3  }
0x7a: {  	v14 =	vor.u32 s22, v9;
	v11 =	vor.u32 s22, v10;
	_ =	sdelay $0x1  }
0x7b: {  	v12 =	vmul.f32 v13, v12;
	_ =	sdelay $0x1  }
0x7c: {  	[tilespmem:v15+s20+$0x0] =	vst.idx.msk $0xffff, v12  }
.Ltmp1:
0x7d: {  	v12 =	vld.idx.msk [tilespmem:v14+s20+$0x0], $0xffff;
	(pc) =	sbr.rel @p0 .LBB2_5-.Ltmp1, $2  }
0x7e: {  	v13 =	vld.idx.msk [tilespmem:v11+s16+$0x0], $0xffff;
	_ =	sdelay $0x2  }
0x7f: {  	s22 =	sshll.u32 s24, $0x7  }
0x80: {  	v14 =	vor.u32 s22, v4  }
0x81: {  	v15 =	vor.u32 s22, v0  }
0x82: {  	v12 =	vmul.f32 v13, v12;
	_ =	sdelay $0x1  }
0x83: {  	[tilespmem:v11+s20+$0x0] =	vst.idx.msk $0xffff, v12  }
0x84: {  	v11 =	vld.idx.msk [tilespmem:v14+s20+$0x0], $0xffff  }
0x85: {  	v12 =	vld.idx.msk [tilespmem:v15+s16+$0x0], $0xffff;
	_ =	sdelay $0x2  }
0x86: {  	v55 =	vor.u32 s22, v5  }
0x87: {  	v56 =	vor.u32 s22, v6  }
0x88: {  	v11 =	vmul.f32 v12, v11;
	_ =	sdelay $0x1  }
0x89: {  	[tilespmem:v15+s20+$0x0] =	vst.idx.msk $0xffff, v11  }
0x8a: {  	v11 =	vld.idx.msk [tilespmem:v55+s20+$0x0], $0xffff  }
0x8b: {  	v57 =	vld.idx.msk [tilespmem:v56+s16+$0x0], $0xffff;
	_ =	sdelay $0x2  }
0x8c: {  	v58 =	vor.u32 s22, v7  }
0x8d: {  	v59 =	vor.u32 s22, v8  }
0x8e: {  	v11 =	vmul.f32 v57, v11;
	_ =	sdelay $0x1  }
0x8f: {  	[tilespmem:v56+s20+$0x0] =	vst.idx.msk $0xffff, v11  }
0x90: {  	v11 =	vld.idx.msk [tilespmem:v58+s20+$0x0], $0xffff  }
0x91: {  	v60 =	vld.idx.msk [tilespmem:v59+s16+$0x0], $0xffff;
	_ =	sdelay $0x2  }
0x92: {  	v61 =	vor.u32 s22, v9  }
0x93: {  	v62 =	vor.u32 s22, v10  }
0x94: {  	v11 =	vmul.f32 v60, v11;
	_ =	sdelay $0x1  }
0x95: {  	[tilespmem:v59+s20+$0x0] =	vst.idx.msk $0xffff, v11  }
0x96: {  	v11 =	vld.idx.msk [tilespmem:v61+s20+$0x0], $0xffff  }
0x97: {  	v63 =	vld.idx.msk [tilespmem:v62+s16+$0x0], $0xffff;
	_ =	sdelay $0x4  }
0x98: {  	s21 =	sadd.s32 $0x1, s21;
	v11 =	vmul.f32 v63, v11  }
0x99: {  	p0 =	sne.s32 s21, $0x7D  }
.Ltmp2:
0x9a: {  	[tilespmem:v62+s20+$0x0] =	vst.idx.msk $0xffff, v11;
	(pc) =	sbr.rel @p0 .LBB2_2-.Ltmp2, $4  }
0x9b: {  	[spmem:s3] =	stream.indirect.scatter.add.f32 [tilespmem:s20], [sflag:$0x3], $0x48, s14, s15, $0xb8;
	[tilespmem:$0x12D00] =	vst v63  }
0x9c: {  	_ =	swait.ge [sflag:s13], $0x1680  }
0x9d: {  	[sflag:s13] =	ssyncset.done $0x0  }
0x9e: {  	[sflag:s13] =	ssyncadd.s32 $0xFFFFE980  }
0x9f: {  	s4 =	sadd.s32 $0x1, s4  }
0xa0: {  	p0 =	sne.s32 s4, s11  }
.Ltmp3:
0xa1: {  	[bflag:$0x0] =	sbarrier.arrive $0xFFFF;
	(pc) =	sbr.rel @p0 .LBB2_1-.Ltmp3, $4  }
0xa2: {  	[hbm:s10], [sflag:s8] =	dma.local [spmem:s12], $0x2800  }
0xa3: {  	_ =	swait.ge [sflag:s13], $0x2800  }
0xa4: {  	[sflag:s13] =	ssyncset.done $0x0  }
0xa5: {  	[sflag:s13] =	ssyncadd.s32 $0xFFFFD800  }
0xa6: {  	_ =	sfence.sel $0x180000  }
0xa7: {  	[bflag:$0x0] =	sbarrier.arrive $0xFFFF  }
0xa8: {  	p0 =	sne.s32 s1, $0x0;
	_ =	strace $0x90000047  }
0xa9: {  	s0 =	sadd.s32 @!p0 $0x100000, s0;
	[bflag:$0x2] =	sbarrier.arrive $0xFFFF  }
0xaa: {  	[sflag:s0] =	ssyncadd.tile.s32 @!p0 $0x1;
	_ =	shalt  }
.Lfunc_end2:
_tile_overlayer_lowered:
.L_overlay_start_2:
0xab: {  	(tag) =	ssettag $0x2  }
0xac: {  	s0 =	rddreg [dreg:$0x0];
	s2 =	stileid.u32  }
0xad: {  	s1 =	rddreg [dreg:$0x1];
	p0 =	sne.s32 s2, $0x0  }
0xae: {  	s3 =	rddreg [dreg:$0x2];
	[bflag:$0x3] =	sbarrier.arrive $0xFFFF;
	s2 =	simm.s32 @!p0 $0x1C03  }
0xaf: {  	[timem:s3], [sflag:s2] =	dma.local @!p0 [hbm:s0], s1  }
0xb0: {  	s0 =	simm.s32 @!p0 $0x3  }
0xb1: {  	_ =	swait.ge @!p0 [sflag:s0], s1  }
0xb2: {  	s1 =	ssub.s32 @!p0 $0x0, s1;
	[sflag:s0] =	ssyncset.done @!p0 $0x0  }
0xb3: {  	[sflag:s0] =	ssyncadd.s32 @!p0 s1  }
0xb4: {  	[bflag:$0x3] =	sbarrier.arrive $0xFFFF  }
0xb5: {  	_ =	shalt  }

</sc_bundles>
